<compile_context>
chip_gen: v7x
topology: tpu7x:2x2x1
jax: 0.10.2.dev20260603
libtpu: 0.0.44.dev20260713+nightly
codegen_flags: <defaults>
</compile_context>

<pallas_src>
import jax
import jax.numpy as jnp
from jax import lax
from jax.experimental import pallas as pl
from jax.experimental.pallas import tpu as pltpu
from jax.experimental.pallas import tpu_sc as plsc

V = 1000001
D = 16
B = 16384
NC, NS = 2, 16
BW = B // NS
DH = D // NC
WL = 104448
SEG2 = WL // 2
V_TAIL = 999424
P = 10
LAST_LO = V_TAIL - WL
TAIL = V - V_TAIL
TAIL_PAD = 640
TSLAB = TAIL_PAD // 128
HALF = DH * WL


def _stage_dma(tT_hbm, spm, cid, sid, p, sem, issue):
    stage_lo = jnp.minimum(p * WL, LAST_LO)
    dt = lax.rem(sid, 8)
    half = lax.div(sid, 8)
    base = lax.rem(p, 2) * HALF
    mk = pltpu.async_copy if issue else pltpu.make_async_copy
    return mk(
        tT_hbm.at[
            cid * DH + dt,
            pl.ds(pl.multiple_of(stage_lo + half * SEG2, 1024), SEG2),
        ],
        spm.at[
            pl.ds(pl.multiple_of(base + dt * WL + half * SEG2, 1024), SEG2)
        ],
        sem,
    )


def _body(
    idx_hbm, tT_hbm, tail_hbm, outT_hbm, idx_v, sel_v, stage_v, tail_v, spm,
    sem, sem2
):
    cid = lax.axis_index("c")
    sid = lax.axis_index("s")
    b0 = sid * BW
    _stage_dma(tT_hbm, spm, cid, sid, 0, sem2, True)
    for jj in range(2):
        pltpu.async_copy(
            idx_hbm.at[pl.ds(b0 + jj * 512, 512)],
            idx_v.at[pl.ds(jj * 512, 512)],
            sem,
        )
    for t2 in range(2):
        for u in range(TSLAB):
            pltpu.async_copy(
                tail_hbm.at[pl.ds(t2 * 8, 8), pl.ds(u * 128, 128)],
                tail_v.at[t2 * TSLAB + u],
                sem,
            )
    for jj in range(2):
        pltpu.make_async_copy(
            idx_hbm.at[pl.ds(b0 + jj * 512, 512)],
            idx_v.at[pl.ds(jj * 512, 512)],
            sem,
        ).wait()
    for t2 in range(2):
        for u in range(TSLAB):
            pltpu.make_async_copy(
                tail_hbm.at[pl.ds(t2 * 8, 8), pl.ds(u * 128, 128)],
                tail_v.at[t2 * TSLAB + u],
                sem,
            ).wait()
    _stage_dma(tT_hbm, spm, cid, sid, 0, sem2, False).wait()
    plsc.subcore_barrier()

    def phase(p, carry):
        sel_lo = p * WL
        sel_hi = jnp.minimum(sel_lo + WL, V_TAIL)
        stage_lo = jnp.minimum(sel_lo, LAST_LO)
        base = lax.rem(p, 2) * HALF

        @pl.when(p + 1 < P)
        def _():
            _stage_dma(tT_hbm, spm, cid, sid, p + 1, sem2, True)

        def sel_step(i, c2):
            iv = idx_v[pl.ds(i * 16, 16)]
            m = (iv >= sel_lo) & (iv < sel_hi)
            sel_v[pl.ds(i * 16, 16)] = jnp.where(m, iv - stage_lo, -1)
            return c2

        lax.fori_loop(0, 64, sel_step, 0, unroll=8)

        def fire(k, c2):
            d = lax.div(k, 8)
            jj = lax.rem(k, 8)
            pltpu.async_copy(
                spm.at[
                    pl.ds(pl.multiple_of(base + d * WL, 1024), WL)
                ].at[
                    plsc.Indices(
                        sel_v.at[pl.ds(jj * 128, 128)], ignored_value=-1
                    )
                ],
                stage_v.at[pl.ds(d * BW + jj * 128, 128)],
                sem,
            )
            return c2

        lax.fori_loop(0, 64, fire, 0)

        def drain(k, c2):
            d = lax.div(k, 8)
            jj = lax.rem(k, 8)
            pltpu.make_async_copy(
                spm.at[
                    pl.ds(pl.multiple_of(base + d * WL, 1024), WL)
                ].at[
                    plsc.Indices(
                        sel_v.at[pl.ds(jj * 128, 128)], ignored_value=-1
                    )
                ],
                stage_v.at[pl.ds(d * BW + jj * 128, 128)],
                sem,
            ).wait()
            return c2

        lax.fori_loop(0, 64, drain, 0)

        @pl.when(p + 1 < P)
        def _():
            _stage_dma(tT_hbm, spm, cid, sid, p + 1, sem2, False).wait()

        plsc.subcore_barrier()
        return carry

    lax.fori_loop(0, P, phase, 0)

    def tmax_step(i, mx):
        return jnp.maximum(mx, idx_v[pl.ds(i * 16, 16)])

    mx = lax.fori_loop(1, 64, tmax_step, idx_v[pl.ds(0, 16)], unroll=8)
    mx_s = lax.reduce_max(mx, axes=(0,))

    @pl.when(mx_s >= V_TAIL)
    def _():
        def tail_step(i, c2):
            iv = idx_v[pl.ds(i * 16, 16)]
            m2 = iv >= V_TAIL
            j2 = jnp.where(m2, iv - V_TAIL, 0)
            slab = (j2 >> 7) + cid * TSLAB
            lane = j2 & 127
            for d in range(DH):
                g = plsc.load_gather(
                    tail_v, [slab, jnp.full((16,), d, jnp.int32), lane]
                )
                cur = stage_v[pl.ds(d * BW + i * 16, 16)]
                stage_v[pl.ds(d * BW + i * 16, 16)] = jnp.where(m2, g, cur)
            return c2

        lax.fori_loop(0, 64, tail_step, 0)

    for d in range(DH):
        pltpu.async_copy(
            stage_v.at[pl.ds(d * BW, BW)],
            outT_hbm.at[cid * DH + d, pl.ds(b0, BW)],
            sem,
        )
    for d in range(DH):
        pltpu.make_async_copy(
            stage_v.at[pl.ds(d * BW, BW)],
            outT_hbm.at[cid * DH + d, pl.ds(b0, BW)],
            sem,
        ).wait()


@jax.jit
def _gather(item_id, table):
    tableT = jnp.swapaxes(table, 0, 1)
    tail_pad = jnp.pad(
        lax.slice(tableT, (0, V_TAIL), (D, V)), ((0, 0), (0, TAIL_PAD - TAIL))
    )
    mesh = plsc.VectorSubcoreMesh(core_axis_name="c", subcore_axis_name="s")
    outT = pl.kernel(
        _body,
        out_type=jax.ShapeDtypeStruct((D, B), jnp.float32),
        mesh=mesh,
        scratch_types=[
            pltpu.VMEM((BW,), jnp.int32),
            pltpu.VMEM((BW,), jnp.int32),
            pltpu.VMEM((DH * BW,), jnp.float32),
            pltpu.VMEM((2 * TSLAB, 8, 128), jnp.float32),
            pltpu.VMEM_SHARED((2 * HALF,), jnp.float32),
            pltpu.SemaphoreType.DMA,
            pltpu.SemaphoreType.DMA,
        ],
        compiler_params=pltpu.CompilerParams(
            use_tc_tiling_on_sc=True, needs_layout_passes=False
        ),
    )(item_id, tableT, tail_pad)
    return jnp.swapaxes(outT, 0, 1)


def kernel(item_id, table):
    return _gather(item_id.astype(jnp.int32), table)

# --- scband reference (transcript-rebuilt; emitter-appended) ---
"""Pipeline reference for scband-item-model-13984413516106 (READ-ONLY COPY).

The authoritative reference and input builder live on the scoring server;
editing this copy changes nothing except your own understanding.
"""

import jax, jax.numpy as jnp
import numpy as np

NUM_ITEMS = 1000000
EMBED_DIM = 16
BATCH = 16384

def setup_inputs(seed: int = 0) -> dict:
    key = jax.random.key(seed)
    k1, k2 = jax.random.split(key)
    item_id = jax.random.randint(k1, (BATCH,), 0, NUM_ITEMS + 1, dtype=jnp.int64 if jax.config.jax_enable_x64 else jnp.int32)
    table = jax.random.normal(k2, (NUM_ITEMS + 1, EMBED_DIM), dtype=jnp.float32) * 0.05
    return {"item_id": item_id, "table": table}

def reference(item_id, table):
    # Keras Embedding lookup: table[item_id]
    return jnp.take(table, item_id, axis=0)

if __name__ == "__main__":
    import jax
    _d = setup_inputs()
    print(jax.jit(kernel)(*tuple(_d.values())))

</pallas_src>

<mosaic_0001>
#map = affine_map<(d0, d1) -> (0)>
#map1 = affine_map<(d0, d1) -> (0, 0)>
module attributes {stable_mosaic.version = 14 : i64} {
  func.func @_body(%arg0: i32, %arg1: i32, %arg2: memref<16384xi32, #tpu.memory_space<hbm>>, %arg3: memref<16x1000001xf32, #tpu.memory_space<hbm>>, %arg4: memref<16x640xf32, #tpu.memory_space<hbm>>, %arg5: memref<16x16384xf32, #tpu.memory_space<hbm>>, %arg6: memref<1024xi32, #tpu.memory_space<vmem>>, %arg7: memref<1024xi32, #tpu.memory_space<vmem>>, %arg8: memref<8192xf32, #tpu.memory_space<vmem>>, %arg9: memref<10x8x128xf32, #tpu.memory_space<vmem>>, %arg10: memref<1671168xf32, #tpu.memory_space<vmem_shared>>, %arg11: memref<!tpu.dma_semaphore, #tpu.memory_space<semaphore_mem>>, %arg12: memref<!tpu.dma_semaphore, #tpu.memory_space<semaphore_mem>>) attributes {dimension_semantics = [#tpu.dimension_semantics<core_parallel>, #tpu.dimension_semantics<subcore_parallel>], iteration_bounds = array<i64: 2, 16>, scalar_prefetch = 0 : i64, scratch_operands = 7 : i64, tpu.core_type = #tpu.core_type<sc_vector_subcore>, window_params = [{transform_indices = #map}, {transform_indices = #map1}, {transform_indices = #map1}, {transform_indices = #map1}]} {
    %mul3A = arith.constant 1024 : i32
    %mul3A_0 = arith.muli %arg1, %mul3A : i32
    %min3A = arith.constant 0 : i32
    %min3A_1 = arith.constant 894976 : i32
    %min3A_2 = arith.minsi %min3A, %min3A_1 : i32
    %rem3A = arith.constant 8 : i32
    %rem3A_3 = arith.remsi %arg1, %rem3A : i32
    %div3A = arith.constant 8 : i32
    %div3A_4 = arith.divsi %arg1, %div3A : i32
    %rem3A_5 = arith.constant 0 : i32
    %rem3A_6 = arith.constant 2 : i32
    %rem3A_7 = arith.remsi %rem3A_5, %rem3A_6 : i32
    %mul3A_8 = arith.constant 835584 : i32
    %mul3A_9 = arith.muli %rem3A_7, %mul3A_8 : i32
    %mul3A_10 = arith.constant 8 : i32
    %mul3A_11 = arith.muli %arg0, %mul3A_10 : i32
    %add3A = arith.addi %mul3A_11, %rem3A_3 : i32
    %mul3A_12 = arith.constant 52224 : i32
    %mul3A_13 = arith.muli %div3A_4, %mul3A_12 : i32
    %add3A_14 = arith.addi %min3A_2, %mul3A_13 : i32
    %multiple_of3A = tpu.assume_multiple %add3A_14, 1024 : i32
    %mul3A_15 = arith.constant 104448 : i32
    %mul3A_16 = arith.muli %rem3A_3, %mul3A_15 : i32
    %add3A_17 = arith.addi %mul3A_9, %mul3A_16 : i32
    %mul3A_18 = arith.constant 52224 : i32
    %mul3A_19 = arith.muli %div3A_4, %mul3A_18 : i32
    %add3A_20 = arith.addi %add3A_17, %mul3A_19 : i32
    %multiple_of3A_21 = tpu.assume_multiple %add3A_20, 1024 : i32
    %dma_start3A = tpu.memref_slice %arg10[%multiple_of3A_21] : memref<1671168xf32, #tpu.memory_space<vmem_shared>> -> memref<52224xf32, #tpu.memory_space<vmem_shared>>
    %dma_start3A_22 = tpu.memref_slice %arg3[%add3A, %multiple_of3A] : memref<16x1000001xf32, #tpu.memory_space<hbm>> -> memref<1x52224xf32, #tpu.memory_space<hbm>>
    %dma_start3A_23 = tpu.memref_squeeze %dma_start3A_22 : memref<1x52224xf32, #tpu.memory_space<hbm>> -> memref<52224xf32, #tpu.memory_space<hbm>>
    tpu.enqueue_dma source(%dma_start3A_23 : memref<52224xf32, #tpu.memory_space<hbm>>) target(%dma_start3A : memref<52224xf32, #tpu.memory_space<vmem_shared>>) target_semaphore(%arg12 : memref<!tpu.dma_semaphore, #tpu.memory_space<semaphore_mem>>)
    %add3A_24 = arith.constant 0 : i32
    %add3A_25 = arith.addi %mul3A_0, %add3A_24 : i32
    %dma_start3A_26 = arith.constant 0 : i32
    %dma_start3A_27 = tpu.memref_slice %arg6[%dma_start3A_26] : memref<1024xi32, #tpu.memory_space<vmem>> -> memref<512xi32, #tpu.memory_space<vmem>>
    %dma_start3A_28 = tpu.memref_slice %arg2[%add3A_25] : memref<16384xi32, #tpu.memory_space<hbm>> -> memref<512xi32, #tpu.memory_space<hbm>>
    %dma_start3A_29 = arith.constant 0 : i32
    %dma_start3A_30 = tpu.memref_slice %arg6[%dma_start3A_29] : memref<1024xi32, #tpu.memory_space<vmem>> -> memref<512xi32, #tpu.memory_space<vmem>>
    %dma_start3A_31 = tpu.memref_slice %arg2[%add3A_25] : memref<16384xi32, #tpu.memory_space<hbm>> -> memref<512xi32, #tpu.memory_space<hbm>>
    tpu.enqueue_dma source(%dma_start3A_31 : memref<512xi32, #tpu.memory_space<hbm>>) target(%dma_start3A_30 : memref<512xi32, #tpu.memory_space<vmem>>) target_semaphore(%arg11 : memref<!tpu.dma_semaphore, #tpu.memory_space<semaphore_mem>>)
    %add3A_32 = arith.constant 512 : i32
    %add3A_33 = arith.addi %mul3A_0, %add3A_32 : i32
    %dma_start3A_34 = arith.constant 512 : i32
    %dma_start3A_35 = tpu.memref_slice %arg6[%dma_start3A_34] : memref<1024xi32, #tpu.memory_space<vmem>> -> memref<512xi32, #tpu.memory_space<vmem>>
    %dma_start3A_36 = tpu.memref_slice %arg2[%add3A_33] : memref<16384xi32, #tpu.memory_space<hbm>> -> memref<512xi32, #tpu.memory_space<hbm>>
    %dma_start3A_37 = arith.constant 512 : i32
    %dma_start3A_38 = tpu.memref_slice %arg6[%dma_start3A_37] : memref<1024xi32, #tpu.memory_space<vmem>> -> memref<512xi32, #tpu.memory_space<vmem>>
    %dma_start3A_39 = tpu.memref_slice %arg2[%add3A_33] : memref<16384xi32, #tpu.memory_space<hbm>> -> memref<512xi32, #tpu.memory_space<hbm>>
    tpu.enqueue_dma source(%dma_start3A_39 : memref<512xi32, #tpu.memory_space<hbm>>) target(%dma_start3A_38 : memref<512xi32, #tpu.memory_space<vmem>>) target_semaphore(%arg11 : memref<!tpu.dma_semaphore, #tpu.memory_space<semaphore_mem>>)
    %dma_start3A_40 = arith.constant 0 : i32
    %dma_start3A_41 = arith.constant 0 : i32
    %dma_start3A_42 = arith.constant 0 : i32
    %dma_start3A_43 = tpu.memref_slice %arg9[%dma_start3A_40, %dma_start3A_41, %dma_start3A_42] : memref<10x8x128xf32, #tpu.memory_space<vmem>> -> memref<1x8x128xf32, #tpu.memory_space<vmem>>
    %dma_start3A_44 = tpu.memref_squeeze %dma_start3A_43 : memref<1x8x128xf32, #tpu.memory_space<vmem>> -> memref<8x128xf32, #tpu.memory_space<vmem>>
    %dma_start3A_45 = arith.constant 0 : i32
    %dma_start3A_46 = arith.constant 0 : i32
    %dma_start3A_47 = tpu.memref_slice %arg4[%dma_start3A_45, %dma_start3A_46] : memref<16x640xf32, #tpu.memory_space<hbm>> -> memref<8x128xf32, #tpu.memory_space<hbm>>
    %dma_start3A_48 = arith.constant 0 : i32
    %dma_start3A_49 = arith.constant 0 : i32
    %dma_start3A_50 = tpu.memref_slice %arg9[%dma_start3A_40, %dma_start3A_48, %dma_start3A_49] : memref<10x8x128xf32, #tpu.memory_space<vmem>> -> memref<1x8x128xf32, #tpu.memory_space<vmem>>
    %dma_start3A_51 = tpu.memref_squeeze %dma_start3A_50 : memref<1x8x128xf32, #tpu.memory_space<vmem>> -> memref<8x128xf32, #tpu.memory_space<vmem>>
    %dma_start3A_52 = arith.constant 0 : i32
    %dma_start3A_53 = arith.constant 0 : i32
    %dma_start3A_54 = tpu.memref_slice %arg4[%dma_start3A_52, %dma_start3A_53] : memref<16x640xf32, #tpu.memory_space<hbm>> -> memref<8x128xf32, #tpu.memory_space<hbm>>
    tpu.enqueue_dma source(%dma_start3A_54 : memref<8x128xf32, #tpu.memory_space<hbm>>) target(%dma_start3A_51 : memref<8x128xf32, #tpu.memory_space<vmem>>) target_semaphore(%arg11 : memref<!tpu.dma_semaphore, #tpu.memory_space<semaphore_mem>>)
    %dma_start3A_55 = arith.constant 1 : i32
    %dma_start3A_56 = arith.constant 0 : i32
    %dma_start3A_57 = arith.constant 0 : i32
    %dma_start3A_58 = tpu.memref_slice %arg9[%dma_start3A_55, %dma_start3A_56, %dma_start3A_57] : memref<10x8x128xf32, #tpu.memory_space<vmem>> -> memref<1x8x128xf32, #tpu.memory_space<vmem>>
    %dma_start3A_59 = tpu.memref_squeeze %dma_start3A_58 : memref<1x8x128xf32, #tpu.memory_space<vmem>> -> memref<8x128xf32, #tpu.memory_space<vmem>>
    %dma_start3A_60 = arith.constant 0 : i32
    %dma_start3A_61 = arith.constant 128 : i32
    %dma_start3A_62 = tpu.memref_slice %arg4[%dma_start3A_60, %dma_start3A_61] : memref<16x640xf32, #tpu.memory_space<hbm>> -> memref<8x128xf32, #tpu.memory_space<hbm>>
    %dma_start3A_63 = arith.constant 0 : i32
    %dma_start3A_64 = arith.constant 0 : i32
    %dma_start3A_65 = tpu.memref_slice %arg9[%dma_start3A_55, %dma_start3A_63, %dma_start3A_64] : memref<10x8x128xf32, #tpu.memory_space<vmem>> -> memref<1x8x128xf32, #tpu.memory_space<vmem>>
    %dma_start3A_66 = tpu.memref_squeeze %dma_start3A_65 : memref<1x8x128xf32, #tpu.memory_space<vmem>> -> memref<8x128xf32, #tpu.memory_space<vmem>>
    %dma_start3A_67 = arith.constant 0 : i32
    %dma_start3A_68 = arith.constant 128 : i32
    %dma_start3A_69 = tpu.memref_slice %arg4[%dma_start3A_67, %dma_start3A_68] : memref<16x640xf32, #tpu.memory_space<hbm>> -> memref<8x128xf32, #tpu.memory_space<hbm>>
    tpu.enqueue_dma source(%dma_start3A_69 : memref<8x128xf32, #tpu.memory_space<hbm>>) target(%dma_start3A_66 : memref<8x128xf32, #tpu.memory_space<vmem>>) target_semaphore(%arg11 : memref<!tpu.dma_semaphore, #tpu.memory_space<semaphore_mem>>)
    %dma_start3A_70 = arith.constant 2 : i32
    %dma_start3A_71 = arith.constant 0 : i32
    %dma_start3A_72 = arith.constant 0 : i32
    %dma_start3A_73 = tpu.memref_slice %arg9[%dma_start3A_70, %dma_start3A_71, %dma_start3A_72] : memref<10x8x128xf32, #tpu.memory_space<vmem>> -> memref<1x8x128xf32, #tpu.memory_space<vmem>>
    %dma_start3A_74 = tpu.memref_squeeze %dma_start3A_73 : memref<1x8x128xf32, #tpu.memory_space<vmem>> -> memref<8x128xf32, #tpu.memory_space<vmem>>
    %dma_start3A_75 = arith.constant 0 : i32
    %dma_start3A_76 = arith.constant 256 : i32
    %dma_start3A_77 = tpu.memref_slice %arg4[%dma_start3A_75, %dma_start3A_76] : memref<16x640xf32, #tpu.memory_space<hbm>> -> memref<8x128xf32, #tpu.memory_space<hbm>>
    %dma_start3A_78 = arith.constant 0 : i32
    %dma_start3A_79 = arith.constant 0 : i32
    %dma_start3A_80 = tpu.memref_slice %arg9[%dma_start3A_70, %dma_start3A_78, %dma_start3A_79] : memref<10x8x128xf32, #tpu.memory_space<vmem>> -> memref<1x8x128xf32, #tpu.memory_space<vmem>>
    %dma_start3A_81 = tpu.memref_squeeze %dma_start3A_80 : memref<1x8x128xf32, #tpu.memory_space<vmem>> -> memref<8x128xf32, #tpu.memory_space<vmem>>
    %dma_start3A_82 = arith.constant 0 : i32
    %dma_start3A_83 = arith.constant 256 : i32
    %dma_start3A_84 = tpu.memref_slice %arg4[%dma_start3A_82, %dma_start3A_83] : memref<16x640xf32, #tpu.memory_space<hbm>> -> memref<8x128xf32, #tpu.memory_space<hbm>>
    tpu.enqueue_dma source(%dma_start3A_84 : memref<8x128xf32, #tpu.memory_space<hbm>>) target(%dma_start3A_81 : memref<8x128xf32, #tpu.memory_space<vmem>>) target_semaphore(%arg11 : memref<!tpu.dma_semaphore, #tpu.memory_space<semaphore_mem>>)
    %dma_start3A_85 = arith.constant 3 : i32
    %dma_start3A_86 = arith.constant 0 : i32
    %dma_start3A_87 = arith.constant 0 : i32
    %dma_start3A_88 = tpu.memref_slice %arg9[%dma_start3A_85, %dma_start3A_86, %dma_start3A_87] : memref<10x8x128xf32, #tpu.memory_space<vmem>> -> memref<1x8x128xf32, #tpu.memory_space<vmem>>
    %dma_start3A_89 = tpu.memref_squeeze %dma_start3A_88 : memref<1x8x128xf32, #tpu.memory_space<vmem>> -> memref<8x128xf32, #tpu.memory_space<vmem>>
    %dma_start3A_90 = arith.constant 0 : i32
    %dma_start3A_91 = arith.constant 384 : i32
    %dma_start3A_92 = tpu.memref_slice %arg4[%dma_start3A_90, %dma_start3A_91] : memref<16x640xf32, #tpu.memory_space<hbm>> -> memref<8x128xf32, #tpu.memory_space<hbm>>
    %dma_start3A_93 = arith.constant 0 : i32
    %dma_start3A_94 = arith.constant 0 : i32
    %dma_start3A_95 = tpu.memref_slice %arg9[%dma_start3A_85, %dma_start3A_93, %dma_start3A_94] : memref<10x8x128xf32, #tpu.memory_space<vmem>> -> memref<1x8x128xf32, #tpu.memory_space<vmem>>
    %dma_start3A_96 = tpu.memref_squeeze %dma_start3A_95 : memref<1x8x128xf32, #tpu.memory_space<vmem>> -> memref<8x128xf32, #tpu.memory_space<vmem>>
    %dma_start3A_97 = arith.constant 0 : i32
    %dma_start3A_98 = arith.constant 384 : i32
    %dma_start3A_99 = tpu.memref_slice %arg4[%dma_start3A_97, %dma_start3A_98] : memref<16x640xf32, #tpu.memory_space<hbm>> -> memref<8x128xf32, #tpu.memory_space<hbm>>
    tpu.enqueue_dma source(%dma_start3A_99 : memref<8x128xf32, #tpu.memory_space<hbm>>) target(%dma_start3A_96 : memref<8x128xf32, #tpu.memory_space<vmem>>) target_semaphore(%arg11 : memref<!tpu.dma_semaphore, #tpu.memory_space<semaphore_mem>>)
    %dma_start3A_100 = arith.constant 4 : i32
    %dma_start3A_101 = arith.constant 0 : i32
    %dma_start3A_102 = arith.constant 0 : i32
    %dma_start3A_103 = tpu.memref_slice %arg9[%dma_start3A_100, %dma_start3A_101, %dma_start3A_102] : memref<10x8x128xf32, #tpu.memory_space<vmem>> -> memref<1x8x128xf32, #tpu.memory_space<vmem>>
    %dma_start3A_104 = tpu.memref_squeeze %dma_start3A_103 : memref<1x8x128xf32, #tpu.memory_space<vmem>> -> memref<8x128xf32, #tpu.memory_space<vmem>>
    %dma_start3A_105 = arith.constant 0 : i32
    %dma_start3A_106 = arith.constant 512 : i32
    %dma_start3A_107 = tpu.memref_slice %arg4[%dma_start3A_105, %dma_start3A_106] : memref<16x640xf32, #tpu.memory_space<hbm>> -> memref<8x128xf32, #tpu.memory_space<hbm>>
    %dma_start3A_108 = arith.constant 0 : i32
    %dma_start3A_109 = arith.constant 0 : i32
    %dma_start3A_110 = tpu.memref_slice %arg9[%dma_start3A_100, %dma_start3A_108, %dma_start3A_109] : memref<10x8x128xf32, #tpu.memory_space<vmem>> -> memref<1x8x128xf32, #tpu.memory_space<vmem>>
    %dma_start3A_111 = tpu.memref_squeeze %dma_start3A_110 : memref<1x8x128xf32, #tpu.memory_space<vmem>> -> memref<8x128xf32, #tpu.memory_space<vmem>>
    %dma_start3A_112 = arith.constant 0 : i32
    %dma_start3A_113 = arith.constant 512 : i32
    %dma_start3A_114 = tpu.memref_slice %arg4[%dma_start3A_112, %dma_start3A_113] : memref<16x640xf32, #tpu.memory_space<hbm>> -> memref<8x128xf32, #tpu.memory_space<hbm>>
    tpu.enqueue_dma source(%dma_start3A_114 : memref<8x128xf32, #tpu.memory_space<hbm>>) target(%dma_start3A_111 : memref<8x128xf32, #tpu.memory_space<vmem>>) target_semaphore(%arg11 : memref<!tpu.dma_semaphore, #tpu.memory_space<semaphore_mem>>)
    %dma_start3A_115 = arith.constant 5 : i32
    %dma_start3A_116 = arith.constant 0 : i32
    %dma_start3A_117 = arith.constant 0 : i32
    %dma_start3A_118 = tpu.memref_slice %arg9[%dma_start3A_115, %dma_start3A_116, %dma_start3A_117] : memref<10x8x128xf32, #tpu.memory_space<vmem>> -> memref<1x8x128xf32, #tpu.memory_space<vmem>>
    %dma_start3A_119 = tpu.memref_squeeze %dma_start3A_118 : memref<1x8x128xf32, #tpu.memory_space<vmem>> -> memref<8x128xf32, #tpu.memory_space<vmem>>
    %dma_start3A_120 = arith.constant 8 : i32
    %dma_start3A_121 = arith.constant 0 : i32
    %dma_start3A_122 = tpu.memref_slice %arg4[%dma_start3A_120, %dma_start3A_121] : memref<16x640xf32, #tpu.memory_space<hbm>> -> memref<8x128xf32, #tpu.memory_space<hbm>>
    %dma_start3A_123 = arith.constant 0 : i32
    %dma_start3A_124 = arith.constant 0 : i32
    %dma_start3A_125 = tpu.memref_slice %arg9[%dma_start3A_115, %dma_start3A_123, %dma_start3A_124] : memref<10x8x128xf32, #tpu.memory_space<vmem>> -> memref<1x8x128xf32, #tpu.memory_space<vmem>>
    %dma_start3A_126 = tpu.memref_squeeze %dma_start3A_125 : memref<1x8x128xf32, #tpu.memory_space<vmem>> -> memref<8x128xf32, #tpu.memory_space<vmem>>
    %dma_start3A_127 = arith.constant 8 : i32
    %dma_start3A_128 = arith.constant 0 : i32
    %dma_start3A_129 = tpu.memref_slice %arg4[%dma_start3A_127, %dma_start3A_128] : memref<16x640xf32, #tpu.memory_space<hbm>> -> memref<8x128xf32, #tpu.memory_space<hbm>>
    tpu.enqueue_dma source(%dma_start3A_129 : memref<8x128xf32, #tpu.memory_space<hbm>>) target(%dma_start3A_126 : memref<8x128xf32, #tpu.memory_space<vmem>>) target_semaphore(%arg11 : memref<!tpu.dma_semaphore, #tpu.memory_space<semaphore_mem>>)
    %dma_start3A_130 = arith.constant 6 : i32
    %dma_start3A_131 = arith.constant 0 : i32
    %dma_start3A_132 = arith.constant 0 : i32
    %dma_start3A_133 = tpu.memref_slice %arg9[%dma_start3A_130, %dma_start3A_131, %dma_start3A_132] : memref<10x8x128xf32, #tpu.memory_space<vmem>> -> memref<1x8x128xf32, #tpu.memory_space<vmem>>
    %dma_start3A_134 = tpu.memref_squeeze %dma_start3A_133 : memref<1x8x128xf32, #tpu.memory_space<vmem>> -> memref<8x128xf32, #tpu.memory_space<vmem>>
    %dma_start3A_135 = arith.constant 8 : i32
    %dma_start3A_136 = arith.constant 128 : i32
    %dma_start3A_137 = tpu.memref_slice %arg4[%dma_start3A_135, %dma_start3A_136] : memref<16x640xf32, #tpu.memory_space<hbm>> -> memref<8x128xf32, #tpu.memory_space<hbm>>
    %dma_start3A_138 = arith.constant 0 : i32
    %dma_start3A_139 = arith.constant 0 : i32
    %dma_start3A_140 = tpu.memref_slice %arg9[%dma_start3A_130, %dma_start3A_138, %dma_start3A_139] : memref<10x8x128xf32, #tpu.memory_space<vmem>> -> memref<1x8x128xf32, #tpu.memory_space<vmem>>
    %dma_start3A_141 = tpu.memref_squeeze %dma_start3A_140 : memref<1x8x128xf32, #tpu.memory_space<vmem>> -> memref<8x128xf32, #tpu.memory_space<vmem>>
    %dma_start3A_142 = arith.constant 8 : i32
    %dma_start3A_143 = arith.constant 128 : i32
    %dma_start3A_144 = tpu.memref_slice %arg4[%dma_start3A_142, %dma_start3A_143] : memref<16x640xf32, #tpu.memory_space<hbm>> -> memref<8x128xf32, #tpu.memory_space<hbm>>
    tpu.enqueue_dma source(%dma_start3A_144 : memref<8x128xf32, #tpu.memory_space<hbm>>) target(%dma_start3A_141 : memref<8x128xf32, #tpu.memory_space<vmem>>) target_semaphore(%arg11 : memref<!tpu.dma_semaphore, #tpu.memory_space<semaphore_mem>>)
    %dma_start3A_145 = arith.constant 7 : i32
    %dma_start3A_146 = arith.constant 0 : i32
    %dma_start3A_147 = arith.constant 0 : i32
    %dma_start3A_148 = tpu.memref_slice %arg9[%dma_start3A_145, %dma_start3A_146, %dma_start3A_147] : memref<10x8x128xf32, #tpu.memory_space<vmem>> -> memref<1x8x128xf32, #tpu.memory_space<vmem>>
    %dma_start3A_149 = tpu.memref_squeeze %dma_start3A_148 : memref<1x8x128xf32, #tpu.memory_space<vmem>> -> memref<8x128xf32, #tpu.memory_space<vmem>>
    %dma_start3A_150 = arith.constant 8 : i32
    %dma_start3A_151 = arith.constant 256 : i32
    %dma_start3A_152 = tpu.memref_slice %arg4[%dma_start3A_150, %dma_start3A_151] : memref<16x640xf32, #tpu.memory_space<hbm>> -> memref<8x128xf32, #tpu.memory_space<hbm>>
    %dma_start3A_153 = arith.constant 0 : i32
    %dma_start3A_154 = arith.constant 0 : i32
    %dma_start3A_155 = tpu.memref_slice %arg9[%dma_start3A_145, %dma_start3A_153, %dma_start3A_154] : memref<10x8x128xf32, #tpu.memory_space<vmem>> -> memref<1x8x128xf32, #tpu.memory_space<vmem>>
    %dma_start3A_156 = tpu.memref_squeeze %dma_start3A_155 : memref<1x8x128xf32, #tpu.memory_space<vmem>> -> memref<8x128xf32, #tpu.memory_space<vmem>>
    %dma_start3A_157 = arith.constant 8 : i32
    %dma_start3A_158 = arith.constant 256 : i32
    %dma_start3A_159 = tpu.memref_slice %arg4[%dma_start3A_157, %dma_start3A_158] : memref<16x640xf32, #tpu.memory_space<hbm>> -> memref<8x128xf32, #tpu.memory_space<hbm>>
    tpu.enqueue_dma source(%dma_start3A_159 : memref<8x128xf32, #tpu.memory_space<hbm>>) target(%dma_start3A_156 : memref<8x128xf32, #tpu.memory_space<vmem>>) target_semaphore(%arg11 : memref<!tpu.dma_semaphore, #tpu.memory_space<semaphore_mem>>)
    %dma_start3A_160 = arith.constant 8 : i32
    %dma_start3A_161 = arith.constant 0 : i32
    %dma_start3A_162 = arith.constant 0 : i32
    %dma_start3A_163 = tpu.memref_slice %arg9[%dma_start3A_160, %dma_start3A_161, %dma_start3A_162] : memref<10x8x128xf32, #tpu.memory_space<vmem>> -> memref<1x8x128xf32, #tpu.memory_space<vmem>>
    %dma_start3A_164 = tpu.memref_squeeze %dma_start3A_163 : memref<1x8x128xf32, #tpu.memory_space<vmem>> -> memref<8x128xf32, #tpu.memory_space<vmem>>
    %dma_start3A_165 = arith.constant 8 : i32
    %dma_start3A_166 = arith.constant 384 : i32
    %dma_start3A_167 = tpu.memref_slice %arg4[%dma_start3A_165, %dma_start3A_166] : memref<16x640xf32, #tpu.memory_space<hbm>> -> memref<8x128xf32, #tpu.memory_space<hbm>>
    %dma_start3A_168 = arith.constant 0 : i32
    %dma_start3A_169 = arith.constant 0 : i32
    %dma_start3A_170 = tpu.memref_slice %arg9[%dma_start3A_160, %dma_start3A_168, %dma_start3A_169] : memref<10x8x128xf32, #tpu.memory_space<vmem>> -> memref<1x8x128xf32, #tpu.memory_space<vmem>>
    %dma_start3A_171 = tpu.memref_squeeze %dma_start3A_170 : memref<1x8x128xf32, #tpu.memory_space<vmem>> -> memref<8x128xf32, #tpu.memory_space<vmem>>
    %dma_start3A_172 = arith.constant 8 : i32
    %dma_start3A_173 = arith.constant 384 : i32
    %dma_start3A_174 = tpu.memref_slice %arg4[%dma_start3A_172, %dma_start3A_173] : memref<16x640xf32, #tpu.memory_space<hbm>> -> memref<8x128xf32, #tpu.memory_space<hbm>>
    tpu.enqueue_dma source(%dma_start3A_174 : memref<8x128xf32, #tpu.memory_space<hbm>>) target(%dma_start3A_171 : memref<8x128xf32, #tpu.memory_space<vmem>>) target_semaphore(%arg11 : memref<!tpu.dma_semaphore, #tpu.memory_space<semaphore_mem>>)
    %dma_start3A_175 = arith.constant 9 : i32
    %dma_start3A_176 = arith.constant 0 : i32
    %dma_start3A_177 = arith.constant 0 : i32
    %dma_start3A_178 = tpu.memref_slice %arg9[%dma_start3A_175, %dma_start3A_176, %dma_start3A_177] : memref<10x8x128xf32, #tpu.memory_space<vmem>> -> memref<1x8x128xf32, #tpu.memory_space<vmem>>
    %dma_start3A_179 = tpu.memref_squeeze %dma_start3A_178 : memref<1x8x128xf32, #tpu.memory_space<vmem>> -> memref<8x128xf32, #tpu.memory_space<vmem>>
    %dma_start3A_180 = arith.constant 8 : i32
    %dma_start3A_181 = arith.constant 512 : i32
    %dma_start3A_182 = tpu.memref_slice %arg4[%dma_start3A_180, %dma_start3A_181] : memref<16x640xf32, #tpu.memory_space<hbm>> -> memref<8x128xf32, #tpu.memory_space<hbm>>
    %dma_start3A_183 = arith.constant 0 : i32
    %dma_start3A_184 = arith.constant 0 : i32
    %dma_start3A_185 = tpu.memref_slice %arg9[%dma_start3A_175, %dma_start3A_183, %dma_start3A_184] : memref<10x8x128xf32, #tpu.memory_space<vmem>> -> memref<1x8x128xf32, #tpu.memory_space<vmem>>
    %dma_start3A_186 = tpu.memref_squeeze %dma_start3A_185 : memref<1x8x128xf32, #tpu.memory_space<vmem>> -> memref<8x128xf32, #tpu.memory_space<vmem>>
    %dma_start3A_187 = arith.constant 8 : i32
    %dma_start3A_188 = arith.constant 512 : i32
    %dma_start3A_189 = tpu.memref_slice %arg4[%dma_start3A_187, %dma_start3A_188] : memref<16x640xf32, #tpu.memory_space<hbm>> -> memref<8x128xf32, #tpu.memory_space<hbm>>
    tpu.enqueue_dma source(%dma_start3A_189 : memref<8x128xf32, #tpu.memory_space<hbm>>) target(%dma_start3A_186 : memref<8x128xf32, #tpu.memory_space<vmem>>) target_semaphore(%arg11 : memref<!tpu.dma_semaphore, #tpu.memory_space<semaphore_mem>>)
    %add3A_190 = arith.constant 0 : i32
    %add3A_191 = arith.addi %mul3A_0, %add3A_190 : i32
    %dma_wait3A = arith.constant 0 : i32
    %dma_wait3A_192 = tpu.memref_slice %arg6[%dma_wait3A] : memref<1024xi32, #tpu.memory_space<vmem>> -> memref<512xi32, #tpu.memory_space<vmem>>
    %dma_wait3A_193 = tpu.memref_slice %arg2[%add3A_191] : memref<16384xi32, #tpu.memory_space<hbm>> -> memref<512xi32, #tpu.memory_space<hbm>>
    %dma_wait3A_194 = arith.constant 0 : i32
    %dma_wait3A_195 = tpu.memref_slice %arg6[%dma_wait3A_194] : memref<1024xi32, #tpu.memory_space<vmem>> -> memref<512xi32, #tpu.memory_space<vmem>>
    %dma_wait3A_196 = tpu.memref_slice %arg2[%add3A_191] : memref<16384xi32, #tpu.memory_space<hbm>> -> memref<512xi32, #tpu.memory_space<hbm>>
    tpu.wait_dma2 semaphore(%arg11 : memref<!tpu.dma_semaphore, #tpu.memory_space<semaphore_mem>>) src(%dma_wait3A_196 : memref<512xi32, #tpu.memory_space<hbm>>) dst(%dma_wait3A_195 : memref<512xi32, #tpu.memory_space<vmem>>)
    %add3A_197 = arith.constant 512 : i32
    %add3A_198 = arith.addi %mul3A_0, %add3A_197 : i32
    %dma_wait3A_199 = arith.constant 512 : i32
    %dma_wait3A_200 = tpu.memref_slice %arg6[%dma_wait3A_199] : memref<1024xi32, #tpu.memory_space<vmem>> -> memref<512xi32, #tpu.memory_space<vmem>>
    %dma_wait3A_201 = tpu.memref_slice %arg2[%add3A_198] : memref<16384xi32, #tpu.memory_space<hbm>> -> memref<512xi32, #tpu.memory_space<hbm>>
    %dma_wait3A_202 = arith.constant 512 : i32
    %dma_wait3A_203 = tpu.memref_slice %arg6[%dma_wait3A_202] : memref<1024xi32, #tpu.memory_space<vmem>> -> memref<512xi32, #tpu.memory_space<vmem>>
    %dma_wait3A_204 = tpu.memref_slice %arg2[%add3A_198] : memref<16384xi32, #tpu.memory_space<hbm>> -> memref<512xi32, #tpu.memory_space<hbm>>
    tpu.wait_dma2 semaphore(%arg11 : memref<!tpu.dma_semaphore, #tpu.memory_space<semaphore_mem>>) src(%dma_wait3A_204 : memref<512xi32, #tpu.memory_space<hbm>>) dst(%dma_wait3A_203 : memref<512xi32, #tpu.memory_space<vmem>>)
    %dma_wait3A_205 = arith.constant 0 : i32
    %dma_wait3A_206 = arith.constant 0 : i32
    %dma_wait3A_207 = arith.constant 0 : i32
    %dma_wait3A_208 = tpu.memref_slice %arg9[%dma_wait3A_205, %dma_wait3A_206, %dma_wait3A_207] : memref<10x8x128xf32, #tpu.memory_space<vmem>> -> memref<1x8x128xf32, #tpu.memory_space<vmem>>
    %dma_wait3A_209 = tpu.memref_squeeze %dma_wait3A_208 : memref<1x8x128xf32, #tpu.memory_space<vmem>> -> memref<8x128xf32, #tpu.memory_space<vmem>>
    %dma_wait3A_210 = arith.constant 0 : i32
    %dma_wait3A_211 = arith.constant 0 : i32
    %dma_wait3A_212 = tpu.memref_slice %arg4[%dma_wait3A_210, %dma_wait3A_211] : memref<16x640xf32, #tpu.memory_space<hbm>> -> memref<8x128xf32, #tpu.memory_space<hbm>>
    %dma_wait3A_213 = arith.constant 0 : i32
    %dma_wait3A_214 = arith.constant 0 : i32
    %dma_wait3A_215 = tpu.memref_slice %arg9[%dma_wait3A_205, %dma_wait3A_213, %dma_wait3A_214] : memref<10x8x128xf32, #tpu.memory_space<vmem>> -> memref<1x8x128xf32, #tpu.memory_space<vmem>>
    %dma_wait3A_216 = tpu.memref_squeeze %dma_wait3A_215 : memref<1x8x128xf32, #tpu.memory_space<vmem>> -> memref<8x128xf32, #tpu.memory_space<vmem>>
    %dma_wait3A_217 = arith.constant 0 : i32
    %dma_wait3A_218 = arith.constant 0 : i32
    %dma_wait3A_219 = tpu.memref_slice %arg4[%dma_wait3A_217, %dma_wait3A_218] : memref<16x640xf32, #tpu.memory_space<hbm>> -> memref<8x128xf32, #tpu.memory_space<hbm>>
    tpu.wait_dma2 semaphore(%arg11 : memref<!tpu.dma_semaphore, #tpu.memory_space<semaphore_mem>>) src(%dma_wait3A_219 : memref<8x128xf32, #tpu.memory_space<hbm>>) dst(%dma_wait3A_216 : memref<8x128xf32, #tpu.memory_space<vmem>>)
    %dma_wait3A_220 = arith.constant 1 : i32
    %dma_wait3A_221 = arith.constant 0 : i32
    %dma_wait3A_222 = arith.constant 0 : i32
    %dma_wait3A_223 = tpu.memref_slice %arg9[%dma_wait3A_220, %dma_wait3A_221, %dma_wait3A_222] : memref<10x8x128xf32, #tpu.memory_space<vmem>> -> memref<1x8x128xf32, #tpu.memory_space<vmem>>
    %dma_wait3A_224 = tpu.memref_squeeze %dma_wait3A_223 : memref<1x8x128xf32, #tpu.memory_space<vmem>> -> memref<8x128xf32, #tpu.memory_space<vmem>>
    %dma_wait3A_225 = arith.constant 0 : i32
    %dma_wait3A_226 = arith.constant 128 : i32
    %dma_wait3A_227 = tpu.memref_slice %arg4[%dma_wait3A_225, %dma_wait3A_226] : memref<16x640xf32, #tpu.memory_space<hbm>> -> memref<8x128xf32, #tpu.memory_space<hbm>>
    %dma_wait3A_228 = arith.constant 0 : i32
    %dma_wait3A_229 = arith.constant 0 : i32
    %dma_wait3A_230 = tpu.memref_slice %arg9[%dma_wait3A_220, %dma_wait3A_228, %dma_wait3A_229] : memref<10x8x128xf32, #tpu.memory_space<vmem>> -> memref<1x8x128xf32, #tpu.memory_space<vmem>>
    %dma_wait3A_231 = tpu.memref_squeeze %dma_wait3A_230 : memref<1x8x128xf32, #tpu.memory_space<vmem>> -> memref<8x128xf32, #tpu.memory_space<vmem>>
    %dma_wait3A_232 = arith.constant 0 : i32
    %dma_wait3A_233 = arith.constant 128 : i32
    %dma_wait3A_234 = tpu.memref_slice %arg4[%dma_wait3A_232, %dma_wait3A_233] : memref<16x640xf32, #tpu.memory_space<hbm>> -> memref<8x128xf32, #tpu.memory_space<hbm>>
    tpu.wait_dma2 semaphore(%arg11 : memref<!tpu.dma_semaphore, #tpu.memory_space<semaphore_mem>>) src(%dma_wait3A_234 : memref<8x128xf32, #tpu.memory_space<hbm>>) dst(%dma_wait3A_231 : memref<8x128xf32, #tpu.memory_space<vmem>>)
    %dma_wait3A_235 = arith.constant 2 : i32
    %dma_wait3A_236 = arith.constant 0 : i32
    %dma_wait3A_237 = arith.constant 0 : i32
    %dma_wait3A_238 = tpu.memref_slice %arg9[%dma_wait3A_235, %dma_wait3A_236, %dma_wait3A_237] : memref<10x8x128xf32, #tpu.memory_space<vmem>> -> memref<1x8x128xf32, #tpu.memory_space<vmem>>
    %dma_wait3A_239 = tpu.memref_squeeze %dma_wait3A_238 : memref<1x8x128xf32, #tpu.memory_space<vmem>> -> memref<8x128xf32, #tpu.memory_space<vmem>>
    %dma_wait3A_240 = arith.constant 0 : i32
    %dma_wait3A_241 = arith.constant 256 : i32
    %dma_wait3A_242 = tpu.memref_slice %arg4[%dma_wait3A_240, %dma_wait3A_241] : memref<16x640xf32, #tpu.memory_space<hbm>> -> memref<8x128xf32, #tpu.memory_space<hbm>>
    %dma_wait3A_243 = arith.constant 0 : i32
    %dma_wait3A_244 = arith.constant 0 : i32
    %dma_wait3A_245 = tpu.memref_slice %arg9[%dma_wait3A_235, %dma_wait3A_243, %dma_wait3A_244] : memref<10x8x128xf32, #tpu.memory_space<vmem>> -> memref<1x8x128xf32, #tpu.memory_space<vmem>>
    %dma_wait3A_246 = tpu.memref_squeeze %dma_wait3A_245 : memref<1x8x128xf32, #tpu.memory_space<vmem>> -> memref<8x128xf32, #tpu.memory_space<vmem>>
    %dma_wait3A_247 = arith.constant 0 : i32
    %dma_wait3A_248 = arith.constant 256 : i32
    %dma_wait3A_249 = tpu.memref_slice %arg4[%dma_wait3A_247, %dma_wait3A_248] : memref<16x640xf32, #tpu.memory_space<hbm>> -> memref<8x128xf32, #tpu.memory_space<hbm>>
    tpu.wait_dma2 semaphore(%arg11 : memref<!tpu.dma_semaphore, #tpu.memory_space<semaphore_mem>>) src(%dma_wait3A_249 : memref<8x128xf32, #tpu.memory_space<hbm>>) dst(%dma_wait3A_246 : memref<8x128xf32, #tpu.memory_space<vmem>>)
    %dma_wait3A_250 = arith.constant 3 : i32
    %dma_wait3A_251 = arith.constant 0 : i32
    %dma_wait3A_252 = arith.constant 0 : i32
    %dma_wait3A_253 = tpu.memref_slice %arg9[%dma_wait3A_250, %dma_wait3A_251, %dma_wait3A_252] : memref<10x8x128xf32, #tpu.memory_space<vmem>> -> memref<1x8x128xf32, #tpu.memory_space<vmem>>
    %dma_wait3A_254 = tpu.memref_squeeze %dma_wait3A_253 : memref<1x8x128xf32, #tpu.memory_space<vmem>> -> memref<8x128xf32, #tpu.memory_space<vmem>>
    %dma_wait3A_255 = arith.constant 0 : i32
    %dma_wait3A_256 = arith.constant 384 : i32
    %dma_wait3A_257 = tpu.memref_slice %arg4[%dma_wait3A_255, %dma_wait3A_256] : memref<16x640xf32, #tpu.memory_space<hbm>> -> memref<8x128xf32, #tpu.memory_space<hbm>>
    %dma_wait3A_258 = arith.constant 0 : i32
    %dma_wait3A_259 = arith.constant 0 : i32
    %dma_wait3A_260 = tpu.memref_slice %arg9[%dma_wait3A_250, %dma_wait3A_258, %dma_wait3A_259] : memref<10x8x128xf32, #tpu.memory_space<vmem>> -> memref<1x8x128xf32, #tpu.memory_space<vmem>>
    %dma_wait3A_261 = tpu.memref_squeeze %dma_wait3A_260 : memref<1x8x128xf32, #tpu.memory_space<vmem>> -> memref<8x128xf32, #tpu.memory_space<vmem>>
    %dma_wait3A_262 = arith.constant 0 : i32
    %dma_wait3A_263 = arith.constant 384 : i32
    %dma_wait3A_264 = tpu.memref_slice %arg4[%dma_wait3A_262, %dma_wait3A_263] : memref<16x640xf32, #tpu.memory_space<hbm>> -> memref<8x128xf32, #tpu.memory_space<hbm>>
    tpu.wait_dma2 semaphore(%arg11 : memref<!tpu.dma_semaphore, #tpu.memory_space<semaphore_mem>>) src(%dma_wait3A_264 : memref<8x128xf32, #tpu.memory_space<hbm>>) dst(%dma_wait3A_261 : memref<8x128xf32, #tpu.memory_space<vmem>>)
    %dma_wait3A_265 = arith.constant 4 : i32
    %dma_wait3A_266 = arith.constant 0 : i32
    %dma_wait3A_267 = arith.constant 0 : i32
    %dma_wait3A_268 = tpu.memref_slice %arg9[%dma_wait3A_265, %dma_wait3A_266, %dma_wait3A_267] : memref<10x8x128xf32, #tpu.memory_space<vmem>> -> memref<1x8x128xf32, #tpu.memory_space<vmem>>
    %dma_wait3A_269 = tpu.memref_squeeze %dma_wait3A_268 : memref<1x8x128xf32, #tpu.memory_space<vmem>> -> memref<8x128xf32, #tpu.memory_space<vmem>>
    %dma_wait3A_270 = arith.constant 0 : i32
    %dma_wait3A_271 = arith.constant 512 : i32
    %dma_wait3A_272 = tpu.memref_slice %arg4[%dma_wait3A_270, %dma_wait3A_271] : memref<16x640xf32, #tpu.memory_space<hbm>> -> memref<8x128xf32, #tpu.memory_space<hbm>>
    %dma_wait3A_273 = arith.constant 0 : i32
    %dma_wait3A_274 = arith.constant 0 : i32
    %dma_wait3A_275 = tpu.memref_slice %arg9[%dma_wait3A_265, %dma_wait3A_273, %dma_wait3A_274] : memref<10x8x128xf32, #tpu.memory_space<vmem>> -> memref<1x8x128xf32, #tpu.memory_space<vmem>>
    %dma_wait3A_276 = tpu.memref_squeeze %dma_wait3A_275 : memref<1x8x128xf32, #tpu.memory_space<vmem>> -> memref<8x128xf32, #tpu.memory_space<vmem>>
    %dma_wait3A_277 = arith.constant 0 : i32
    %dma_wait3A_278 = arith.constant 512 : i32
    %dma_wait3A_279 = tpu.memref_slice %arg4[%dma_wait3A_277, %dma_wait3A_278] : memref<16x640xf32, #tpu.memory_space<hbm>> -> memref<8x128xf32, #tpu.memory_space<hbm>>
    tpu.wait_dma2 semaphore(%arg11 : memref<!tpu.dma_semaphore, #tpu.memory_space<semaphore_mem>>) src(%dma_wait3A_279 : memref<8x128xf32, #tpu.memory_space<hbm>>) dst(%dma_wait3A_276 : memref<8x128xf32, #tpu.memory_space<vmem>>)
    %dma_wait3A_280 = arith.constant 5 : i32
    %dma_wait3A_281 = arith.constant 0 : i32
    %dma_wait3A_282 = arith.constant 0 : i32
    %dma_wait3A_283 = tpu.memref_slice %arg9[%dma_wait3A_280, %dma_wait3A_281, %dma_wait3A_282] : memref<10x8x128xf32, #tpu.memory_space<vmem>> -> memref<1x8x128xf32, #tpu.memory_space<vmem>>
    %dma_wait3A_284 = tpu.memref_squeeze %dma_wait3A_283 : memref<1x8x128xf32, #tpu.memory_space<vmem>> -> memref<8x128xf32, #tpu.memory_space<vmem>>
    %dma_wait3A_285 = arith.constant 8 : i32
    %dma_wait3A_286 = arith.constant 0 : i32
    %dma_wait3A_287 = tpu.memref_slice %arg4[%dma_wait3A_285, %dma_wait3A_286] : memref<16x640xf32, #tpu.memory_space<hbm>> -> memref<8x128xf32, #tpu.memory_space<hbm>>
    %dma_wait3A_288 = arith.constant 0 : i32
    %dma_wait3A_289 = arith.constant 0 : i32
    %dma_wait3A_290 = tpu.memref_slice %arg9[%dma_wait3A_280, %dma_wait3A_288, %dma_wait3A_289] : memref<10x8x128xf32, #tpu.memory_space<vmem>> -> memref<1x8x128xf32, #tpu.memory_space<vmem>>
    %dma_wait3A_291 = tpu.memref_squeeze %dma_wait3A_290 : memref<1x8x128xf32, #tpu.memory_space<vmem>> -> memref<8x128xf32, #tpu.memory_space<vmem>>
    %dma_wait3A_292 = arith.constant 8 : i32
    %dma_wait3A_293 = arith.constant 0 : i32
    %dma_wait3A_294 = tpu.memref_slice %arg4[%dma_wait3A_292, %dma_wait3A_293] : memref<16x640xf32, #tpu.memory_space<hbm>> -> memref<8x128xf32, #tpu.memory_space<hbm>>
    tpu.wait_dma2 semaphore(%arg11 : memref<!tpu.dma_semaphore, #tpu.memory_space<semaphore_mem>>) src(%dma_wait3A_294 : memref<8x128xf32, #tpu.memory_space<hbm>>) dst(%dma_wait3A_291 : memref<8x128xf32, #tpu.memory_space<vmem>>)
    %dma_wait3A_295 = arith.constant 6 : i32
    %dma_wait3A_296 = arith.constant 0 : i32
    %dma_wait3A_297 = arith.constant 0 : i32
    %dma_wait3A_298 = tpu.memref_slice %arg9[%dma_wait3A_295, %dma_wait3A_296, %dma_wait3A_297] : memref<10x8x128xf32, #tpu.memory_space<vmem>> -> memref<1x8x128xf32, #tpu.memory_space<vmem>>
    %dma_wait3A_299 = tpu.memref_squeeze %dma_wait3A_298 : memref<1x8x128xf32, #tpu.memory_space<vmem>> -> memref<8x128xf32, #tpu.memory_space<vmem>>
    %dma_wait3A_300 = arith.constant 8 : i32
    %dma_wait3A_301 = arith.constant 128 : i32
    %dma_wait3A_302 = tpu.memref_slice %arg4[%dma_wait3A_300, %dma_wait3A_301] : memref<16x640xf32, #tpu.memory_space<hbm>> -> memref<8x128xf32, #tpu.memory_space<hbm>>
    %dma_wait3A_303 = arith.constant 0 : i32
    %dma_wait3A_304 = arith.constant 0 : i32
    %dma_wait3A_305 = tpu.memref_slice %arg9[%dma_wait3A_295, %dma_wait3A_303, %dma_wait3A_304] : memref<10x8x128xf32, #tpu.memory_space<vmem>> -> memref<1x8x128xf32, #tpu.memory_space<vmem>>
    %dma_wait3A_306 = tpu.memref_squeeze %dma_wait3A_305 : memref<1x8x128xf32, #tpu.memory_space<vmem>> -> memref<8x128xf32, #tpu.memory_space<vmem>>
    %dma_wait3A_307 = arith.constant 8 : i32
    %dma_wait3A_308 = arith.constant 128 : i32
    %dma_wait3A_309 = tpu.memref_slice %arg4[%dma_wait3A_307, %dma_wait3A_308] : memref<16x640xf32, #tpu.memory_space<hbm>> -> memref<8x128xf32, #tpu.memory_space<hbm>>
    tpu.wait_dma2 semaphore(%arg11 : memref<!tpu.dma_semaphore, #tpu.memory_space<semaphore_mem>>) src(%dma_wait3A_309 : memref<8x128xf32, #tpu.memory_space<hbm>>) dst(%dma_wait3A_306 : memref<8x128xf32, #tpu.memory_space<vmem>>)
    %dma_wait3A_310 = arith.constant 7 : i32
    %dma_wait3A_311 = arith.constant 0 : i32
    %dma_wait3A_312 = arith.constant 0 : i32
    %dma_wait3A_313 = tpu.memref_slice %arg9[%dma_wait3A_310, %dma_wait3A_311, %dma_wait3A_312] : memref<10x8x128xf32, #tpu.memory_space<vmem>> -> memref<1x8x128xf32, #tpu.memory_space<vmem>>
    %dma_wait3A_314 = tpu.memref_squeeze %dma_wait3A_313 : memref<1x8x128xf32, #tpu.memory_space<vmem>> -> memref<8x128xf32, #tpu.memory_space<vmem>>
    %dma_wait3A_315 = arith.constant 8 : i32
    %dma_wait3A_316 = arith.constant 256 : i32
    %dma_wait3A_317 = tpu.memref_slice %arg4[%dma_wait3A_315, %dma_wait3A_316] : memref<16x640xf32, #tpu.memory_space<hbm>> -> memref<8x128xf32, #tpu.memory_space<hbm>>
    %dma_wait3A_318 = arith.constant 0 : i32
    %dma_wait3A_319 = arith.constant 0 : i32
    %dma_wait3A_320 = tpu.memref_slice %arg9[%dma_wait3A_310, %dma_wait3A_318, %dma_wait3A_319] : memref<10x8x128xf32, #tpu.memory_space<vmem>> -> memref<1x8x128xf32, #tpu.memory_space<vmem>>
    %dma_wait3A_321 = tpu.memref_squeeze %dma_wait3A_320 : memref<1x8x128xf32, #tpu.memory_space<vmem>> -> memref<8x128xf32, #tpu.memory_space<vmem>>
    %dma_wait3A_322 = arith.constant 8 : i32
    %dma_wait3A_323 = arith.constant 256 : i32
    %dma_wait3A_324 = tpu.memref_slice %arg4[%dma_wait3A_322, %dma_wait3A_323] : memref<16x640xf32, #tpu.memory_space<hbm>> -> memref<8x128xf32, #tpu.memory_space<hbm>>
    tpu.wait_dma2 semaphore(%arg11 : memref<!tpu.dma_semaphore, #tpu.memory_space<semaphore_mem>>) src(%dma_wait3A_324 : memref<8x128xf32, #tpu.memory_space<hbm>>) dst(%dma_wait3A_321 : memref<8x128xf32, #tpu.memory_space<vmem>>)
    %dma_wait3A_325 = arith.constant 8 : i32
    %dma_wait3A_326 = arith.constant 0 : i32
    %dma_wait3A_327 = arith.constant 0 : i32
    %dma_wait3A_328 = tpu.memref_slice %arg9[%dma_wait3A_325, %dma_wait3A_326, %dma_wait3A_327] : memref<10x8x128xf32, #tpu.memory_space<vmem>> -> memref<1x8x128xf32, #tpu.memory_space<vmem>>
    %dma_wait3A_329 = tpu.memref_squeeze %dma_wait3A_328 : memref<1x8x128xf32, #tpu.memory_space<vmem>> -> memref<8x128xf32, #tpu.memory_space<vmem>>
    %dma_wait3A_330 = arith.constant 8 : i32
    %dma_wait3A_331 = arith.constant 384 : i32
    %dma_wait3A_332 = tpu.memref_slice %arg4[%dma_wait3A_330, %dma_wait3A_331] : memref<16x640xf32, #tpu.memory_space<hbm>> -> memref<8x128xf32, #tpu.memory_space<hbm>>
    %dma_wait3A_333 = arith.constant 0 : i32
    %dma_wait3A_334 = arith.constant 0 : i32
    %dma_wait3A_335 = tpu.memref_slice %arg9[%dma_wait3A_325, %dma_wait3A_333, %dma_wait3A_334] : memref<10x8x128xf32, #tpu.memory_space<vmem>> -> memref<1x8x128xf32, #tpu.memory_space<vmem>>
    %dma_wait3A_336 = tpu.memref_squeeze %dma_wait3A_335 : memref<1x8x128xf32, #tpu.memory_space<vmem>> -> memref<8x128xf32, #tpu.memory_space<vmem>>
    %dma_wait3A_337 = arith.constant 8 : i32
    %dma_wait3A_338 = arith.constant 384 : i32
    %dma_wait3A_339 = tpu.memref_slice %arg4[%dma_wait3A_337, %dma_wait3A_338] : memref<16x640xf32, #tpu.memory_space<hbm>> -> memref<8x128xf32, #tpu.memory_space<hbm>>
    tpu.wait_dma2 semaphore(%arg11 : memref<!tpu.dma_semaphore, #tpu.memory_space<semaphore_mem>>) src(%dma_wait3A_339 : memref<8x128xf32, #tpu.memory_space<hbm>>) dst(%dma_wait3A_336 : memref<8x128xf32, #tpu.memory_space<vmem>>)
    %dma_wait3A_340 = arith.constant 9 : i32
    %dma_wait3A_341 = arith.constant 0 : i32
    %dma_wait3A_342 = arith.constant 0 : i32
    %dma_wait3A_343 = tpu.memref_slice %arg9[%dma_wait3A_340, %dma_wait3A_341, %dma_wait3A_342] : memref<10x8x128xf32, #tpu.memory_space<vmem>> -> memref<1x8x128xf32, #tpu.memory_space<vmem>>
    %dma_wait3A_344 = tpu.memref_squeeze %dma_wait3A_343 : memref<1x8x128xf32, #tpu.memory_space<vmem>> -> memref<8x128xf32, #tpu.memory_space<vmem>>
    %dma_wait3A_345 = arith.constant 8 : i32
    %dma_wait3A_346 = arith.constant 512 : i32
    %dma_wait3A_347 = tpu.memref_slice %arg4[%dma_wait3A_345, %dma_wait3A_346] : memref<16x640xf32, #tpu.memory_space<hbm>> -> memref<8x128xf32, #tpu.memory_space<hbm>>
    %dma_wait3A_348 = arith.constant 0 : i32
    %dma_wait3A_349 = arith.constant 0 : i32
    %dma_wait3A_350 = tpu.memref_slice %arg9[%dma_wait3A_340, %dma_wait3A_348, %dma_wait3A_349] : memref<10x8x128xf32, #tpu.memory_space<vmem>> -> memref<1x8x128xf32, #tpu.memory_space<vmem>>
    %dma_wait3A_351 = tpu.memref_squeeze %dma_wait3A_350 : memref<1x8x128xf32, #tpu.memory_space<vmem>> -> memref<8x128xf32, #tpu.memory_space<vmem>>
    %dma_wait3A_352 = arith.constant 8 : i32
    %dma_wait3A_353 = arith.constant 512 : i32
    %dma_wait3A_354 = tpu.memref_slice %arg4[%dma_wait3A_352, %dma_wait3A_353] : memref<16x640xf32, #tpu.memory_space<hbm>> -> memref<8x128xf32, #tpu.memory_space<hbm>>
    tpu.wait_dma2 semaphore(%arg11 : memref<!tpu.dma_semaphore, #tpu.memory_space<semaphore_mem>>) src(%dma_wait3A_354 : memref<8x128xf32, #tpu.memory_space<hbm>>) dst(%dma_wait3A_351 : memref<8x128xf32, #tpu.memory_space<vmem>>)
    %min3A_355 = arith.constant 0 : i32
    %min3A_356 = arith.constant 894976 : i32
    %min3A_357 = arith.minsi %min3A_355, %min3A_356 : i32
    %rem3A_358 = arith.constant 8 : i32
    %rem3A_359 = arith.remsi %arg1, %rem3A_358 : i32
    %div3A_360 = arith.constant 8 : i32
    %div3A_361 = arith.divsi %arg1, %div3A_360 : i32
    %rem3A_362 = arith.constant 0 : i32
    %rem3A_363 = arith.constant 2 : i32
    %rem3A_364 = arith.remsi %rem3A_362, %rem3A_363 : i32
    %mul3A_365 = arith.constant 835584 : i32
    %mul3A_366 = arith.muli %rem3A_364, %mul3A_365 : i32
    %mul3A_367 = arith.constant 8 : i32
    %mul3A_368 = arith.muli %arg0, %mul3A_367 : i32
    %add3A_369 = arith.addi %mul3A_368, %rem3A_359 : i32
    %mul3A_370 = arith.constant 52224 : i32
    %mul3A_371 = arith.muli %div3A_361, %mul3A_370 : i32
    %add3A_372 = arith.addi %min3A_357, %mul3A_371 : i32
    %multiple_of3A_373 = tpu.assume_multiple %add3A_372, 1024 : i32
    %mul3A_374 = arith.constant 104448 : i32
    %mul3A_375 = arith.muli %rem3A_359, %mul3A_374 : i32
    %add3A_376 = arith.addi %mul3A_366, %mul3A_375 : i32
    %mul3A_377 = arith.constant 52224 : i32
    %mul3A_378 = arith.muli %div3A_361, %mul3A_377 : i32
    %add3A_379 = arith.addi %add3A_376, %mul3A_378 : i32
    %multiple_of3A_380 = tpu.assume_multiple %add3A_379, 1024 : i32
    %dma_wait3A_381 = tpu.memref_slice %arg10[%multiple_of3A_380] : memref<1671168xf32, #tpu.memory_space<vmem_shared>> -> memref<52224xf32, #tpu.memory_space<vmem_shared>>
    %dma_wait3A_382 = tpu.memref_slice %arg3[%add3A_369, %multiple_of3A_373] : memref<16x1000001xf32, #tpu.memory_space<hbm>> -> memref<1x52224xf32, #tpu.memory_space<hbm>>
    %dma_wait3A_383 = tpu.memref_squeeze %dma_wait3A_382 : memref<1x52224xf32, #tpu.memory_space<hbm>> -> memref<52224xf32, #tpu.memory_space<hbm>>
    tpu.wait_dma2 semaphore(%arg12 : memref<!tpu.dma_semaphore, #tpu.memory_space<semaphore_mem>>) src(%dma_wait3A_383 : memref<52224xf32, #tpu.memory_space<hbm>>) dst(%dma_wait3A_381 : memref<52224xf32, #tpu.memory_space<vmem_shared>>)
    %barrier3A = arith.constant 0 : index
    tpu.barrier barrier_id(%barrier3A)
    %scan3A = arith.constant 0 : i32
    %scan3A_384 = arith.constant 0 : i32
    %scan3A_385 = arith.constant 10 : i32
    %scan3A_386 = arith.addi %scan3A_384, %scan3A_385 : i32
    %scan3A_387 = arith.constant 1 : i32
    scf.for %scan3A_645 = %scan3A_384 to %scan3A_386 step %scan3A_387  : i32 {
      %mul3A_646 = arith.constant 104448 : i32
      %mul3A_647 = arith.muli %scan3A_645, %mul3A_646 : i32
      %add3A_648 = arith.constant 104448 : i32
      %add3A_649 = arith.addi %mul3A_647, %add3A_648 : i32
      %min3A_650 = arith.constant 999424 : i32
      %min3A_651 = arith.minsi %add3A_649, %min3A_650 : i32
      %min3A_652 = arith.constant 894976 : i32
      %min3A_653 = arith.minsi %mul3A_647, %min3A_652 : i32
      %rem3A_654 = arith.constant 2 : i32
      %rem3A_655 = arith.remsi %scan3A_645, %rem3A_654 : i32
      %mul3A_656 = arith.constant 835584 : i32
      %mul3A_657 = arith.muli %rem3A_655, %mul3A_656 : i32
      %add3A_658 = arith.constant 1 : i32
      %add3A_659 = arith.addi %scan3A_645, %add3A_658 : i32
      %lt3A = arith.constant 10 : i32
      %lt3A_660 = arith.cmpi slt, %add3A_659, %lt3A : i32
      %convert_element_type3A_661 = arith.extui %lt3A_660 : i1 to i32
      %cond3A_662 = arith.constant 0 : i32
      %cond3A_663 = arith.cmpi ne, %convert_element_type3A_661, %cond3A_662 : i32
      scf.if %cond3A_663 {
        %add3A_690 = arith.constant 1 : i32
        %add3A_691 = arith.addi %scan3A_645, %add3A_690 : i32
        %mul3A_692 = arith.constant 104448 : i32
        %mul3A_693 = arith.muli %add3A_691, %mul3A_692 : i32
        %min3A_694 = arith.constant 894976 : i32
        %min3A_695 = arith.minsi %mul3A_693, %min3A_694 : i32
        %rem3A_696 = arith.constant 8 : i32
        %rem3A_697 = arith.remsi %arg1, %rem3A_696 : i32
        %div3A_698 = arith.constant 8 : i32
        %div3A_699 = arith.divsi %arg1, %div3A_698 : i32
        %rem3A_700 = arith.constant 2 : i32
        %rem3A_701 = arith.remsi %add3A_691, %rem3A_700 : i32
        %mul3A_702 = arith.constant 835584 : i32
        %mul3A_703 = arith.muli %rem3A_701, %mul3A_702 : i32
        %mul3A_704 = arith.constant 8 : i32
        %mul3A_705 = arith.muli %arg0, %mul3A_704 : i32
        %add3A_706 = arith.addi %mul3A_705, %rem3A_697 : i32
        %mul3A_707 = arith.constant 52224 : i32
        %mul3A_708 = arith.muli %div3A_699, %mul3A_707 : i32
        %add3A_709 = arith.addi %min3A_695, %mul3A_708 : i32
        %multiple_of3A_710 = tpu.assume_multiple %add3A_709, 1024 : i32
        %mul3A_711 = arith.constant 104448 : i32
        %mul3A_712 = arith.muli %rem3A_697, %mul3A_711 : i32
        %add3A_713 = arith.addi %mul3A_703, %mul3A_712 : i32
        %mul3A_714 = arith.constant 52224 : i32
        %mul3A_715 = arith.muli %div3A_699, %mul3A_714 : i32
        %add3A_716 = arith.addi %add3A_713, %mul3A_715 : i32
        %multiple_of3A_717 = tpu.assume_multiple %add3A_716, 1024 : i32
        %dma_start3A_718 = tpu.memref_slice %arg10[%multiple_of3A_717] : memref<1671168xf32, #tpu.memory_space<vmem_shared>> -> memref<52224xf32, #tpu.memory_space<vmem_shared>>
        %dma_start3A_719 = tpu.memref_slice %arg3[%add3A_706, %multiple_of3A_710] : memref<16x1000001xf32, #tpu.memory_space<hbm>> -> memref<1x52224xf32, #tpu.memory_space<hbm>>
        %dma_start3A_720 = tpu.memref_squeeze %dma_start3A_719 : memref<1x52224xf32, #tpu.memory_space<hbm>> -> memref<52224xf32, #tpu.memory_space<hbm>>
        tpu.enqueue_dma source(%dma_start3A_720 : memref<52224xf32, #tpu.memory_space<hbm>>) target(%dma_start3A_718 : memref<52224xf32, #tpu.memory_space<vmem_shared>>) target_semaphore(%arg12 : memref<!tpu.dma_semaphore, #tpu.memory_space<semaphore_mem>>)
      } else {
      }
      %scan3A_664 = arith.constant 0 : i32
      %scan3A_665 = arith.constant 0 : i32
      %scan3A_666 = arith.constant 64 : i32
      %scan3A_667 = arith.addi %scan3A_665, %scan3A_666 : i32
      %scan3A_668 = arith.constant 8 : i32
      scf.for %scan3A_690 = %scan3A_665 to %scan3A_667 step %scan3A_668  : i32 {
        %mul3A_691 = arith.constant 16 : i32
        %mul3A_692 = arith.muli %scan3A_690, %mul3A_691 : i32
        %get3A_693 = arith.index_cast %mul3A_692 : i32 to index
        %get3A_694 = tpu.vector_load %arg6[%get3A_693] {strides = array<i32>} : memref<1024xi32, #tpu.memory_space<vmem>>, vector<16xi32>,
        %ge3A_695 = vector.broadcast %mul3A_647 : i32 to vector<16xi32>
        %ge3A_696 = arith.cmpi sge, %get3A_694, %ge3A_695 : vector<16xi32>
        %lt3A_697 = vector.broadcast %min3A_651 : i32 to vector<16xi32>
        %lt3A_698 = arith.cmpi slt, %get3A_694, %lt3A_697 : vector<16xi32>
        %and3A = arith.andi %ge3A_696, %lt3A_698 : vector<16xi1>
        %sub3A = vector.broadcast %min3A_653 : i32 to vector<16xi32>
        %sub3A_699 = arith.subi %get3A_694, %sub3A : vector<16xi32>
        %jit3A = arith.constant -1 : i32
        %broadcast_in_dim3A = vector.broadcast %jit3A : i32 to vector<16xi32>
        %select_n3A = arith.select %and3A, %sub3A_699, %broadcast_in_dim3A : vector<16xi1>, vector<16xi32>
        %mul3A_700 = arith.constant 16 : i32
        %mul3A_701 = arith.muli %scan3A_690, %mul3A_700 : i32
        %swap3A = arith.index_cast %mul3A_701 : i32 to index
        %swap3A_702 = tpu.vector_load %arg7[%swap3A] {strides = array<i32>} : memref<1024xi32, #tpu.memory_space<vmem>>, vector<16xi32>,
        tpu.vector_store %arg7[%swap3A], %select_n3A {strides = array<i32>} : memref<1024xi32, #tpu.memory_space<vmem>>, vector<16xi32>,
        %scan3A_703 = arith.constant 1 : i32
        %scan3A_704 = arith.addi %scan3A_690, %scan3A_703 : i32
        %mul3A_705 = arith.constant 16 : i32
        %mul3A_706 = arith.muli %scan3A_704, %mul3A_705 : i32
        %get3A_707 = arith.index_cast %mul3A_706 : i32 to index
        %get3A_708 = tpu.vector_load %arg6[%get3A_707] {strides = array<i32>} : memref<1024xi32, #tpu.memory_space<vmem>>, vector<16xi32>,
        %ge3A_709 = vector.broadcast %mul3A_647 : i32 to vector<16xi32>
        %ge3A_710 = arith.cmpi sge, %get3A_708, %ge3A_709 : vector<16xi32>
        %lt3A_711 = vector.broadcast %min3A_651 : i32 to vector<16xi32>
        %lt3A_712 = arith.cmpi slt, %get3A_708, %lt3A_711 : vector<16xi32>
        %and3A_713 = arith.andi %ge3A_710, %lt3A_712 : vector<16xi1>
        %sub3A_714 = vector.broadcast %min3A_653 : i32 to vector<16xi32>
        %sub3A_715 = arith.subi %get3A_708, %sub3A_714 : vector<16xi32>
        %jit3A_716 = arith.constant -1 : i32
        %broadcast_in_dim3A_717 = vector.broadcast %jit3A_716 : i32 to vector<16xi32>
        %select_n3A_718 = arith.select %and3A_713, %sub3A_715, %broadcast_in_dim3A_717 : vector<16xi1>, vector<16xi32>
        %mul3A_719 = arith.constant 16 : i32
        %mul3A_720 = arith.muli %scan3A_704, %mul3A_719 : i32
        %swap3A_721 = arith.index_cast %mul3A_720 : i32 to index
        %swap3A_722 = tpu.vector_load %arg7[%swap3A_721] {strides = array<i32>} : memref<1024xi32, #tpu.memory_space<vmem>>, vector<16xi32>,
        tpu.vector_store %arg7[%swap3A_721], %select_n3A_718 {strides = array<i32>} : memref<1024xi32, #tpu.memory_space<vmem>>, vector<16xi32>,
        %scan3A_723 = arith.constant 2 : i32
        %scan3A_724 = arith.addi %scan3A_690, %scan3A_723 : i32
        %mul3A_725 = arith.constant 16 : i32
        %mul3A_726 = arith.muli %scan3A_724, %mul3A_725 : i32
        %get3A_727 = arith.index_cast %mul3A_726 : i32 to index
        %get3A_728 = tpu.vector_load %arg6[%get3A_727] {strides = array<i32>} : memref<1024xi32, #tpu.memory_space<vmem>>, vector<16xi32>,
        %ge3A_729 = vector.broadcast %mul3A_647 : i32 to vector<16xi32>
        %ge3A_730 = arith.cmpi sge, %get3A_728, %ge3A_729 : vector<16xi32>
        %lt3A_731 = vector.broadcast %min3A_651 : i32 to vector<16xi32>
        %lt3A_732 = arith.cmpi slt, %get3A_728, %lt3A_731 : vector<16xi32>
        %and3A_733 = arith.andi %ge3A_730, %lt3A_732 : vector<16xi1>
        %sub3A_734 = vector.broadcast %min3A_653 : i32 to vector<16xi32>
        %sub3A_735 = arith.subi %get3A_728, %sub3A_734 : vector<16xi32>
        %jit3A_736 = arith.constant -1 : i32
        %broadcast_in_dim3A_737 = vector.broadcast %jit3A_736 : i32 to vector<16xi32>
        %select_n3A_738 = arith.select %and3A_733, %sub3A_735, %broadcast_in_dim3A_737 : vector<16xi1>, vector<16xi32>
        %mul3A_739 = arith.constant 16 : i32
        %mul3A_740 = arith.muli %scan3A_724, %mul3A_739 : i32
        %swap3A_741 = arith.index_cast %mul3A_740 : i32 to index
        %swap3A_742 = tpu.vector_load %arg7[%swap3A_741] {strides = array<i32>} : memref<1024xi32, #tpu.memory_space<vmem>>, vector<16xi32>,
        tpu.vector_store %arg7[%swap3A_741], %select_n3A_738 {strides = array<i32>} : memref<1024xi32, #tpu.memory_space<vmem>>, vector<16xi32>,
        %scan3A_743 = arith.constant 3 : i32
        %scan3A_744 = arith.addi %scan3A_690, %scan3A_743 : i32
        %mul3A_745 = arith.constant 16 : i32
        %mul3A_746 = arith.muli %scan3A_744, %mul3A_745 : i32
        %get3A_747 = arith.index_cast %mul3A_746 : i32 to index
        %get3A_748 = tpu.vector_load %arg6[%get3A_747] {strides = array<i32>} : memref<1024xi32, #tpu.memory_space<vmem>>, vector<16xi32>,
        %ge3A_749 = vector.broadcast %mul3A_647 : i32 to vector<16xi32>
        %ge3A_750 = arith.cmpi sge, %get3A_748, %ge3A_749 : vector<16xi32>
        %lt3A_751 = vector.broadcast %min3A_651 : i32 to vector<16xi32>
        %lt3A_752 = arith.cmpi slt, %get3A_748, %lt3A_751 : vector<16xi32>
        %and3A_753 = arith.andi %ge3A_750, %lt3A_752 : vector<16xi1>
        %sub3A_754 = vector.broadcast %min3A_653 : i32 to vector<16xi32>
        %sub3A_755 = arith.subi %get3A_748, %sub3A_754 : vector<16xi32>
        %jit3A_756 = arith.constant -1 : i32
        %broadcast_in_dim3A_757 = vector.broadcast %jit3A_756 : i32 to vector<16xi32>
        %select_n3A_758 = arith.select %and3A_753, %sub3A_755, %broadcast_in_dim3A_757 : vector<16xi1>, vector<16xi32>
        %mul3A_759 = arith.constant 16 : i32
        %mul3A_760 = arith.muli %scan3A_744, %mul3A_759 : i32
        %swap3A_761 = arith.index_cast %mul3A_760 : i32 to index
        %swap3A_762 = tpu.vector_load %arg7[%swap3A_761] {strides = array<i32>} : memref<1024xi32, #tpu.memory_space<vmem>>, vector<16xi32>,
        tpu.vector_store %arg7[%swap3A_761], %select_n3A_758 {strides = array<i32>} : memref<1024xi32, #tpu.memory_space<vmem>>, vector<16xi32>,
        %scan3A_763 = arith.constant 4 : i32
        %scan3A_764 = arith.addi %scan3A_690, %scan3A_763 : i32
        %mul3A_765 = arith.constant 16 : i32
        %mul3A_766 = arith.muli %scan3A_764, %mul3A_765 : i32
        %get3A_767 = arith.index_cast %mul3A_766 : i32 to index
        %get3A_768 = tpu.vector_load %arg6[%get3A_767] {strides = array<i32>} : memref<1024xi32, #tpu.memory_space<vmem>>, vector<16xi32>,
        %ge3A_769 = vector.broadcast %mul3A_647 : i32 to vector<16xi32>
        %ge3A_770 = arith.cmpi sge, %get3A_768, %ge3A_769 : vector<16xi32>
        %lt3A_771 = vector.broadcast %min3A_651 : i32 to vector<16xi32>
        %lt3A_772 = arith.cmpi slt, %get3A_768, %lt3A_771 : vector<16xi32>
        %and3A_773 = arith.andi %ge3A_770, %lt3A_772 : vector<16xi1>
        %sub3A_774 = vector.broadcast %min3A_653 : i32 to vector<16xi32>
        %sub3A_775 = arith.subi %get3A_768, %sub3A_774 : vector<16xi32>
        %jit3A_776 = arith.constant -1 : i32
        %broadcast_in_dim3A_777 = vector.broadcast %jit3A_776 : i32 to vector<16xi32>
        %select_n3A_778 = arith.select %and3A_773, %sub3A_775, %broadcast_in_dim3A_777 : vector<16xi1>, vector<16xi32>
        %mul3A_779 = arith.constant 16 : i32
        %mul3A_780 = arith.muli %scan3A_764, %mul3A_779 : i32
        %swap3A_781 = arith.index_cast %mul3A_780 : i32 to index
        %swap3A_782 = tpu.vector_load %arg7[%swap3A_781] {strides = array<i32>} : memref<1024xi32, #tpu.memory_space<vmem>>, vector<16xi32>,
        tpu.vector_store %arg7[%swap3A_781], %select_n3A_778 {strides = array<i32>} : memref<1024xi32, #tpu.memory_space<vmem>>, vector<16xi32>,
        %scan3A_783 = arith.constant 5 : i32
        %scan3A_784 = arith.addi %scan3A_690, %scan3A_783 : i32
        %mul3A_785 = arith.constant 16 : i32
        %mul3A_786 = arith.muli %scan3A_784, %mul3A_785 : i32
        %get3A_787 = arith.index_cast %mul3A_786 : i32 to index
        %get3A_788 = tpu.vector_load %arg6[%get3A_787] {strides = array<i32>} : memref<1024xi32, #tpu.memory_space<vmem>>, vector<16xi32>,
        %ge3A_789 = vector.broadcast %mul3A_647 : i32 to vector<16xi32>
        %ge3A_790 = arith.cmpi sge, %get3A_788, %ge3A_789 : vector<16xi32>
        %lt3A_791 = vector.broadcast %min3A_651 : i32 to vector<16xi32>
        %lt3A_792 = arith.cmpi slt, %get3A_788, %lt3A_791 : vector<16xi32>
        %and3A_793 = arith.andi %ge3A_790, %lt3A_792 : vector<16xi1>
        %sub3A_794 = vector.broadcast %min3A_653 : i32 to vector<16xi32>
        %sub3A_795 = arith.subi %get3A_788, %sub3A_794 : vector<16xi32>
        %jit3A_796 = arith.constant -1 : i32
        %broadcast_in_dim3A_797 = vector.broadcast %jit3A_796 : i32 to vector<16xi32>
        %select_n3A_798 = arith.select %and3A_793, %sub3A_795, %broadcast_in_dim3A_797 : vector<16xi1>, vector<16xi32>
        %mul3A_799 = arith.constant 16 : i32
        %mul3A_800 = arith.muli %scan3A_784, %mul3A_799 : i32
        %swap3A_801 = arith.index_cast %mul3A_800 : i32 to index
        %swap3A_802 = tpu.vector_load %arg7[%swap3A_801] {strides = array<i32>} : memref<1024xi32, #tpu.memory_space<vmem>>, vector<16xi32>,
        tpu.vector_store %arg7[%swap3A_801], %select_n3A_798 {strides = array<i32>} : memref<1024xi32, #tpu.memory_space<vmem>>, vector<16xi32>,
        %scan3A_803 = arith.constant 6 : i32
        %scan3A_804 = arith.addi %scan3A_690, %scan3A_803 : i32
        %mul3A_805 = arith.constant 16 : i32
        %mul3A_806 = arith.muli %scan3A_804, %mul3A_805 : i32
        %get3A_807 = arith.index_cast %mul3A_806 : i32 to index
        %get3A_808 = tpu.vector_load %arg6[%get3A_807] {strides = array<i32>} : memref<1024xi32, #tpu.memory_space<vmem>>, vector<16xi32>,
        %ge3A_809 = vector.broadcast %mul3A_647 : i32 to vector<16xi32>
        %ge3A_810 = arith.cmpi sge, %get3A_808, %ge3A_809 : vector<16xi32>
        %lt3A_811 = vector.broadcast %min3A_651 : i32 to vector<16xi32>
        %lt3A_812 = arith.cmpi slt, %get3A_808, %lt3A_811 : vector<16xi32>
        %and3A_813 = arith.andi %ge3A_810, %lt3A_812 : vector<16xi1>
        %sub3A_814 = vector.broadcast %min3A_653 : i32 to vector<16xi32>
        %sub3A_815 = arith.subi %get3A_808, %sub3A_814 : vector<16xi32>
        %jit3A_816 = arith.constant -1 : i32
        %broadcast_in_dim3A_817 = vector.broadcast %jit3A_816 : i32 to vector<16xi32>
        %select_n3A_818 = arith.select %and3A_813, %sub3A_815, %broadcast_in_dim3A_817 : vector<16xi1>, vector<16xi32>
        %mul3A_819 = arith.constant 16 : i32
        %mul3A_820 = arith.muli %scan3A_804, %mul3A_819 : i32
        %swap3A_821 = arith.index_cast %mul3A_820 : i32 to index
        %swap3A_822 = tpu.vector_load %arg7[%swap3A_821] {strides = array<i32>} : memref<1024xi32, #tpu.memory_space<vmem>>, vector<16xi32>,
        tpu.vector_store %arg7[%swap3A_821], %select_n3A_818 {strides = array<i32>} : memref<1024xi32, #tpu.memory_space<vmem>>, vector<16xi32>,
        %scan3A_823 = arith.constant 7 : i32
        %scan3A_824 = arith.addi %scan3A_690, %scan3A_823 : i32
        %mul3A_825 = arith.constant 16 : i32
        %mul3A_826 = arith.muli %scan3A_824, %mul3A_825 : i32
        %get3A_827 = arith.index_cast %mul3A_826 : i32 to index
        %get3A_828 = tpu.vector_load %arg6[%get3A_827] {strides = array<i32>} : memref<1024xi32, #tpu.memory_space<vmem>>, vector<16xi32>,
        %ge3A_829 = vector.broadcast %mul3A_647 : i32 to vector<16xi32>
        %ge3A_830 = arith.cmpi sge, %get3A_828, %ge3A_829 : vector<16xi32>
        %lt3A_831 = vector.broadcast %min3A_651 : i32 to vector<16xi32>
        %lt3A_832 = arith.cmpi slt, %get3A_828, %lt3A_831 : vector<16xi32>
        %and3A_833 = arith.andi %ge3A_830, %lt3A_832 : vector<16xi1>
        %sub3A_834 = vector.broadcast %min3A_653 : i32 to vector<16xi32>
        %sub3A_835 = arith.subi %get3A_828, %sub3A_834 : vector<16xi32>
        %jit3A_836 = arith.constant -1 : i32
        %broadcast_in_dim3A_837 = vector.broadcast %jit3A_836 : i32 to vector<16xi32>
        %select_n3A_838 = arith.select %and3A_833, %sub3A_835, %broadcast_in_dim3A_837 : vector<16xi1>, vector<16xi32>
        %mul3A_839 = arith.constant 16 : i32
        %mul3A_840 = arith.muli %scan3A_824, %mul3A_839 : i32
        %swap3A_841 = arith.index_cast %mul3A_840 : i32 to index
        %swap3A_842 = tpu.vector_load %arg7[%swap3A_841] {strides = array<i32>} : memref<1024xi32, #tpu.memory_space<vmem>>, vector<16xi32>,
        tpu.vector_store %arg7[%swap3A_841], %select_n3A_838 {strides = array<i32>} : memref<1024xi32, #tpu.memory_space<vmem>>, vector<16xi32>,
      }
      %scan3A_669 = arith.constant 64 : i32
      %scan3A_670 = arith.constant 0 : i32
      %scan3A_671 = arith.constant 0 : i32
      %scan3A_672 = arith.constant 64 : i32
      %scan3A_673 = arith.addi %scan3A_671, %scan3A_672 : i32
      %scan3A_674 = arith.constant 1 : i32
      scf.for %scan3A_690 = %scan3A_671 to %scan3A_673 step %scan3A_674  : i32 {
        %div3A_691 = arith.constant 8 : i32
        %div3A_692 = arith.divsi %scan3A_690, %div3A_691 : i32
        %rem3A_693 = arith.constant 8 : i32
        %rem3A_694 = arith.remsi %scan3A_690, %rem3A_693 : i32
        %mul3A_695 = arith.constant 104448 : i32
        %mul3A_696 = arith.muli %div3A_692, %mul3A_695 : i32
        %add3A_697 = arith.addi %mul3A_657, %mul3A_696 : i32
        %multiple_of3A_698 = tpu.assume_multiple %add3A_697, 1024 : i32
        %mul3A_699 = arith.constant 128 : i32
        %mul3A_700 = arith.muli %rem3A_694, %mul3A_699 : i32
        %mul3A_701 = arith.constant 1024 : i32
        %mul3A_702 = arith.muli %div3A_692, %mul3A_701 : i32
        %mul3A_703 = arith.constant 128 : i32
        %mul3A_704 = arith.muli %rem3A_694, %mul3A_703 : i32
        %add3A_705 = arith.addi %mul3A_702, %mul3A_704 : i32
        %dma_start3A_706 = tpu.memref_slice %arg8[%add3A_705] : memref<8192xf32, #tpu.memory_space<vmem>> -> memref<128xf32, #tpu.memory_space<vmem>>
        %dma_start3A_707 = tpu.memref_slice %arg7[%mul3A_700] : memref<1024xi32, #tpu.memory_space<vmem>> -> memref<128xi32, #tpu.memory_space<vmem>>
        %dma_start3A_708 = tpu.memref_slice %arg10[%multiple_of3A_698] : memref<1671168xf32, #tpu.memory_space<vmem_shared>> -> memref<104448xf32, #tpu.memory_space<vmem_shared>>
        %dma_start3A_709 = arith.constant 0 : i32
        %dma_start3A_710 = tpu.memref_slice %dma_start3A_708[%dma_start3A_709] : memref<104448xf32, #tpu.memory_space<vmem_shared>> -> memref<104448xf32, #tpu.memory_space<vmem_shared>>
        %dma_start3A_711 = arith.constant -1 : i32
        tpu.enqueue_indirect_dma source(%dma_start3A_710 : memref<104448xf32, #tpu.memory_space<vmem_shared>>) target(%dma_start3A_706 : memref<128xf32, #tpu.memory_space<vmem>>) offsets(%dma_start3A_707 : memref<128xi32, #tpu.memory_space<vmem>>) offset_filter(%dma_start3A_711) semaphore(%arg11 : memref<!tpu.dma_semaphore, #tpu.memory_space<semaphore_mem>>)
      }
      %scan3A_675 = arith.constant 64 : i32
      %scan3A_676 = arith.constant 0 : i32
      %scan3A_677 = arith.constant 0 : i32
      %scan3A_678 = arith.constant 64 : i32
      %scan3A_679 = arith.addi %scan3A_677, %scan3A_678 : i32
      %scan3A_680 = arith.constant 1 : i32
      scf.for %scan3A_690 = %scan3A_677 to %scan3A_679 step %scan3A_680  : i32 {
        %div3A_691 = arith.constant 8 : i32
        %div3A_692 = arith.divsi %scan3A_690, %div3A_691 : i32
        %rem3A_693 = arith.constant 8 : i32
        %rem3A_694 = arith.remsi %scan3A_690, %rem3A_693 : i32
        %mul3A_695 = arith.constant 104448 : i32
        %mul3A_696 = arith.muli %div3A_692, %mul3A_695 : i32
        %add3A_697 = arith.addi %mul3A_657, %mul3A_696 : i32
        %multiple_of3A_698 = tpu.assume_multiple %add3A_697, 1024 : i32
        %mul3A_699 = arith.constant 128 : i32
        %mul3A_700 = arith.muli %rem3A_694, %mul3A_699 : i32
        %mul3A_701 = arith.constant 1024 : i32
        %mul3A_702 = arith.muli %div3A_692, %mul3A_701 : i32
        %mul3A_703 = arith.constant 128 : i32
        %mul3A_704 = arith.muli %rem3A_694, %mul3A_703 : i32
        %add3A_705 = arith.addi %mul3A_702, %mul3A_704 : i32
        %dma_wait3A_706 = tpu.memref_slice %arg8[%add3A_705] : memref<8192xf32, #tpu.memory_space<vmem>> -> memref<128xf32, #tpu.memory_space<vmem>>
        %dma_wait3A_707 = tpu.memref_slice %arg7[%mul3A_700] : memref<1024xi32, #tpu.memory_space<vmem>> -> memref<128xi32, #tpu.memory_space<vmem>>
        %dma_wait3A_708 = tpu.memref_slice %arg10[%multiple_of3A_698] : memref<1671168xf32, #tpu.memory_space<vmem_shared>> -> memref<104448xf32, #tpu.memory_space<vmem_shared>>
        %dma_wait3A_709 = arith.constant 0 : i32
        %dma_wait3A_710 = tpu.memref_slice %dma_wait3A_708[%dma_wait3A_709] : memref<104448xf32, #tpu.memory_space<vmem_shared>> -> memref<104448xf32, #tpu.memory_space<vmem_shared>>
        tpu.wait_indirect_dma semaphore(%arg11 : memref<!tpu.dma_semaphore, #tpu.memory_space<semaphore_mem>>) src(%dma_wait3A_710 : memref<104448xf32, #tpu.memory_space<vmem_shared>>) dst(%dma_wait3A_706 : memref<128xf32, #tpu.memory_space<vmem>>)
      }
      %scan3A_681 = arith.constant 64 : i32
      %add3A_682 = arith.constant 1 : i32
      %add3A_683 = arith.addi %scan3A_645, %add3A_682 : i32
      %lt3A_684 = arith.constant 10 : i32
      %lt3A_685 = arith.cmpi slt, %add3A_683, %lt3A_684 : i32
      %convert_element_type3A_686 = arith.extui %lt3A_685 : i1 to i32
      %cond3A_687 = arith.constant 0 : i32
      %cond3A_688 = arith.cmpi ne, %convert_element_type3A_686, %cond3A_687 : i32
      scf.if %cond3A_688 {
        %add3A_690 = arith.constant 1 : i32
        %add3A_691 = arith.addi %scan3A_645, %add3A_690 : i32
        %mul3A_692 = arith.constant 104448 : i32
        %mul3A_693 = arith.muli %add3A_691, %mul3A_692 : i32
        %min3A_694 = arith.constant 894976 : i32
        %min3A_695 = arith.minsi %mul3A_693, %min3A_694 : i32
        %rem3A_696 = arith.constant 8 : i32
        %rem3A_697 = arith.remsi %arg1, %rem3A_696 : i32
        %div3A_698 = arith.constant 8 : i32
        %div3A_699 = arith.divsi %arg1, %div3A_698 : i32
        %rem3A_700 = arith.constant 2 : i32
        %rem3A_701 = arith.remsi %add3A_691, %rem3A_700 : i32
        %mul3A_702 = arith.constant 835584 : i32
        %mul3A_703 = arith.muli %rem3A_701, %mul3A_702 : i32
        %mul3A_704 = arith.constant 8 : i32
        %mul3A_705 = arith.muli %arg0, %mul3A_704 : i32
        %add3A_706 = arith.addi %mul3A_705, %rem3A_697 : i32
        %mul3A_707 = arith.constant 52224 : i32
        %mul3A_708 = arith.muli %div3A_699, %mul3A_707 : i32
        %add3A_709 = arith.addi %min3A_695, %mul3A_708 : i32
        %multiple_of3A_710 = tpu.assume_multiple %add3A_709, 1024 : i32
        %mul3A_711 = arith.constant 104448 : i32
        %mul3A_712 = arith.muli %rem3A_697, %mul3A_711 : i32
        %add3A_713 = arith.addi %mul3A_703, %mul3A_712 : i32
        %mul3A_714 = arith.constant 52224 : i32
        %mul3A_715 = arith.muli %div3A_699, %mul3A_714 : i32
        %add3A_716 = arith.addi %add3A_713, %mul3A_715 : i32
        %multiple_of3A_717 = tpu.assume_multiple %add3A_716, 1024 : i32
        %dma_wait3A_718 = tpu.memref_slice %arg10[%multiple_of3A_717] : memref<1671168xf32, #tpu.memory_space<vmem_shared>> -> memref<52224xf32, #tpu.memory_space<vmem_shared>>
        %dma_wait3A_719 = tpu.memref_slice %arg3[%add3A_706, %multiple_of3A_710] : memref<16x1000001xf32, #tpu.memory_space<hbm>> -> memref<1x52224xf32, #tpu.memory_space<hbm>>
        %dma_wait3A_720 = tpu.memref_squeeze %dma_wait3A_719 : memref<1x52224xf32, #tpu.memory_space<hbm>> -> memref<52224xf32, #tpu.memory_space<hbm>>
        tpu.wait_dma2 semaphore(%arg12 : memref<!tpu.dma_semaphore, #tpu.memory_space<semaphore_mem>>) src(%dma_wait3A_720 : memref<52224xf32, #tpu.memory_space<hbm>>) dst(%dma_wait3A_718 : memref<52224xf32, #tpu.memory_space<vmem_shared>>)
      } else {
      }
      %barrier3A_689 = arith.constant 0 : index
      tpu.barrier barrier_id(%barrier3A_689)
    }
    %scan3A_388 = arith.constant 10 : i32
    %get3A = arith.constant 0 : index
    %get3A_389 = tpu.vector_load %arg6[%get3A] {strides = array<i32>} : memref<1024xi32, #tpu.memory_space<vmem>>, vector<16xi32>,
    %scan3A_390 = arith.constant 1 : i32
    %scan3A_391 = arith.constant 56 : i32
    %scan3A_392 = arith.addi %scan3A_390, %scan3A_391 : i32
    %scan3A_393 = arith.constant 8 : i32
    %scan3A_394 = scf.for %scan3A_645 = %scan3A_390 to %scan3A_392 step %scan3A_393 iter_args(%scan3A_646 = %get3A_389) -> (vector<16xi32>)  : i32 {
      %mul3A_647 = arith.constant 16 : i32
      %mul3A_648 = arith.muli %scan3A_645, %mul3A_647 : i32
      %get3A_649 = arith.index_cast %mul3A_648 : i32 to index
      %get3A_650 = tpu.vector_load %arg6[%get3A_649] {strides = array<i32>} : memref<1024xi32, #tpu.memory_space<vmem>>, vector<16xi32>,
      %max3A_651 = arith.maxsi %scan3A_646, %get3A_650 : vector<16xi32>
      %scan3A_652 = arith.constant 1 : i32
      %scan3A_653 = arith.addi %scan3A_645, %scan3A_652 : i32
      %mul3A_654 = arith.constant 16 : i32
      %mul3A_655 = arith.muli %scan3A_653, %mul3A_654 : i32
      %get3A_656 = arith.index_cast %mul3A_655 : i32 to index
      %get3A_657 = tpu.vector_load %arg6[%get3A_656] {strides = array<i32>} : memref<1024xi32, #tpu.memory_space<vmem>>, vector<16xi32>,
      %max3A_658 = arith.maxsi %max3A_651, %get3A_657 : vector<16xi32>
      %scan3A_659 = arith.constant 2 : i32
      %scan3A_660 = arith.addi %scan3A_645, %scan3A_659 : i32
      %mul3A_661 = arith.constant 16 : i32
      %mul3A_662 = arith.muli %scan3A_660, %mul3A_661 : i32
      %get3A_663 = arith.index_cast %mul3A_662 : i32 to index
      %get3A_664 = tpu.vector_load %arg6[%get3A_663] {strides = array<i32>} : memref<1024xi32, #tpu.memory_space<vmem>>, vector<16xi32>,
      %max3A_665 = arith.maxsi %max3A_658, %get3A_664 : vector<16xi32>
      %scan3A_666 = arith.constant 3 : i32
      %scan3A_667 = arith.addi %scan3A_645, %scan3A_666 : i32
      %mul3A_668 = arith.constant 16 : i32
      %mul3A_669 = arith.muli %scan3A_667, %mul3A_668 : i32
      %get3A_670 = arith.index_cast %mul3A_669 : i32 to index
      %get3A_671 = tpu.vector_load %arg6[%get3A_670] {strides = array<i32>} : memref<1024xi32, #tpu.memory_space<vmem>>, vector<16xi32>,
      %max3A_672 = arith.maxsi %max3A_665, %get3A_671 : vector<16xi32>
      %scan3A_673 = arith.constant 4 : i32
      %scan3A_674 = arith.addi %scan3A_645, %scan3A_673 : i32
      %mul3A_675 = arith.constant 16 : i32
      %mul3A_676 = arith.muli %scan3A_674, %mul3A_675 : i32
      %get3A_677 = arith.index_cast %mul3A_676 : i32 to index
      %get3A_678 = tpu.vector_load %arg6[%get3A_677] {strides = array<i32>} : memref<1024xi32, #tpu.memory_space<vmem>>, vector<16xi32>,
      %max3A_679 = arith.maxsi %max3A_672, %get3A_678 : vector<16xi32>
      %scan3A_680 = arith.constant 5 : i32
      %scan3A_681 = arith.addi %scan3A_645, %scan3A_680 : i32
      %mul3A_682 = arith.constant 16 : i32
      %mul3A_683 = arith.muli %scan3A_681, %mul3A_682 : i32
      %get3A_684 = arith.index_cast %mul3A_683 : i32 to index
      %get3A_685 = tpu.vector_load %arg6[%get3A_684] {strides = array<i32>} : memref<1024xi32, #tpu.memory_space<vmem>>, vector<16xi32>,
      %max3A_686 = arith.maxsi %max3A_679, %get3A_685 : vector<16xi32>
      %scan3A_687 = arith.constant 6 : i32
      %scan3A_688 = arith.addi %scan3A_645, %scan3A_687 : i32
      %mul3A_689 = arith.constant 16 : i32
      %mul3A_690 = arith.muli %scan3A_688, %mul3A_689 : i32
      %get3A_691 = arith.index_cast %mul3A_690 : i32 to index
      %get3A_692 = tpu.vector_load %arg6[%get3A_691] {strides = array<i32>} : memref<1024xi32, #tpu.memory_space<vmem>>, vector<16xi32>,
      %max3A_693 = arith.maxsi %max3A_686, %get3A_692 : vector<16xi32>
      %scan3A_694 = arith.constant 7 : i32
      %scan3A_695 = arith.addi %scan3A_645, %scan3A_694 : i32
      %mul3A_696 = arith.constant 16 : i32
      %mul3A_697 = arith.muli %scan3A_695, %mul3A_696 : i32
      %get3A_698 = arith.index_cast %mul3A_697 : i32 to index
      %get3A_699 = tpu.vector_load %arg6[%get3A_698] {strides = array<i32>} : memref<1024xi32, #tpu.memory_space<vmem>>, vector<16xi32>,
      %max3A_700 = arith.maxsi %max3A_693, %get3A_699 : vector<16xi32>
      scf.yield %max3A_700 : vector<16xi32>
    }
    %scan3A_395 = arith.constant 56 : i32
    %scan3A_396 = arith.addi %scan3A_390, %scan3A_395 : i32
    %mul3A_397 = arith.constant 16 : i32
    %mul3A_398 = arith.muli %scan3A_396, %mul3A_397 : i32
    %get3A_399 = arith.index_cast %mul3A_398 : i32 to index
    %get3A_400 = tpu.vector_load %arg6[%get3A_399] {strides = array<i32>} : memref<1024xi32, #tpu.memory_space<vmem>>, vector<16xi32>,
    %max3A = arith.maxsi %scan3A_394, %get3A_400 : vector<16xi32>
    %scan3A_401 = arith.constant 57 : i32
    %scan3A_402 = arith.addi %scan3A_390, %scan3A_401 : i32
    %mul3A_403 = arith.constant 16 : i32
    %mul3A_404 = arith.muli %scan3A_402, %mul3A_403 : i32
    %get3A_405 = arith.index_cast %mul3A_404 : i32 to index
    %get3A_406 = tpu.vector_load %arg6[%get3A_405] {strides = array<i32>} : memref<1024xi32, #tpu.memory_space<vmem>>, vector<16xi32>,
    %max3A_407 = arith.maxsi %max3A, %get3A_406 : vector<16xi32>
    %scan3A_408 = arith.constant 58 : i32
    %scan3A_409 = arith.addi %scan3A_390, %scan3A_408 : i32
    %mul3A_410 = arith.constant 16 : i32
    %mul3A_411 = arith.muli %scan3A_409, %mul3A_410 : i32
    %get3A_412 = arith.index_cast %mul3A_411 : i32 to index
    %get3A_413 = tpu.vector_load %arg6[%get3A_412] {strides = array<i32>} : memref<1024xi32, #tpu.memory_space<vmem>>, vector<16xi32>,
    %max3A_414 = arith.maxsi %max3A_407, %get3A_413 : vector<16xi32>
    %scan3A_415 = arith.constant 59 : i32
    %scan3A_416 = arith.addi %scan3A_390, %scan3A_415 : i32
    %mul3A_417 = arith.constant 16 : i32
    %mul3A_418 = arith.muli %scan3A_416, %mul3A_417 : i32
    %get3A_419 = arith.index_cast %mul3A_418 : i32 to index
    %get3A_420 = tpu.vector_load %arg6[%get3A_419] {strides = array<i32>} : memref<1024xi32, #tpu.memory_space<vmem>>, vector<16xi32>,
    %max3A_421 = arith.maxsi %max3A_414, %get3A_420 : vector<16xi32>
    %scan3A_422 = arith.constant 60 : i32
    %scan3A_423 = arith.addi %scan3A_390, %scan3A_422 : i32
    %mul3A_424 = arith.constant 16 : i32
    %mul3A_425 = arith.muli %scan3A_423, %mul3A_424 : i32
    %get3A_426 = arith.index_cast %mul3A_425 : i32 to index
    %get3A_427 = tpu.vector_load %arg6[%get3A_426] {strides = array<i32>} : memref<1024xi32, #tpu.memory_space<vmem>>, vector<16xi32>,
    %max3A_428 = arith.maxsi %max3A_421, %get3A_427 : vector<16xi32>
    %scan3A_429 = arith.constant 61 : i32
    %scan3A_430 = arith.addi %scan3A_390, %scan3A_429 : i32
    %mul3A_431 = arith.constant 16 : i32
    %mul3A_432 = arith.muli %scan3A_430, %mul3A_431 : i32
    %get3A_433 = arith.index_cast %mul3A_432 : i32 to index
    %get3A_434 = tpu.vector_load %arg6[%get3A_433] {strides = array<i32>} : memref<1024xi32, #tpu.memory_space<vmem>>, vector<16xi32>,
    %max3A_435 = arith.maxsi %max3A_428, %get3A_434 : vector<16xi32>
    %scan3A_436 = arith.constant 62 : i32
    %scan3A_437 = arith.addi %scan3A_390, %scan3A_436 : i32
    %mul3A_438 = arith.constant 16 : i32
    %mul3A_439 = arith.muli %scan3A_437, %mul3A_438 : i32
    %get3A_440 = arith.index_cast %mul3A_439 : i32 to index
    %get3A_441 = tpu.vector_load %arg6[%get3A_440] {strides = array<i32>} : memref<1024xi32, #tpu.memory_space<vmem>>, vector<16xi32>,
    %max3A_442 = arith.maxsi %max3A_435, %get3A_441 : vector<16xi32>
    %scan3A_443 = arith.constant 63 : i32
    %reduce_max3A = arith.constant true
    %reduce_max3A_444 = vector.broadcast %reduce_max3A : i1 to vector<16xi1>
    %reduce_max3A_445 = arith.constant -2147483648 : i32
    %reduce_max3A_446 = vector.broadcast %reduce_max3A_445 : i32 to vector<16xi32>
    %reduce_max3A_447 = arith.xori %max3A_442, %reduce_max3A_446 : vector<16xi32>
    %reduce_max3A_448 = tpu.scan <max>, %reduce_max3A_447 masked %reduce_max3A_444 : vector<16xi32>, vector<16xi1> -> vector<16xi32>
    %reduce_max3A_449 = arith.xori %reduce_max3A_448, %reduce_max3A_446 : vector<16xi32>
    %reduce_max3A_450 = vector.extract %reduce_max3A_449[15] : i32 from vector<16xi32>
    %ge3A = arith.constant 999424 : i32
    %ge3A_451 = arith.cmpi sge, %reduce_max3A_450, %ge3A : i32
    %convert_element_type3A = arith.extui %ge3A_451 : i1 to i32
    %cond3A = arith.constant 0 : i32
    %cond3A_452 = arith.cmpi ne, %convert_element_type3A, %cond3A : i32
    scf.if %cond3A_452 {
      %scan3A_645 = arith.constant 0 : i32
      %scan3A_646 = arith.constant 0 : i32
      %scan3A_647 = arith.constant 64 : i32
      %scan3A_648 = arith.addi %scan3A_646, %scan3A_647 : i32
      %scan3A_649 = arith.constant 1 : i32
      scf.for %scan3A_651 = %scan3A_646 to %scan3A_648 step %scan3A_649  : i32 {
        %mul3A_652 = arith.constant 16 : i32
        %mul3A_653 = arith.muli %scan3A_651, %mul3A_652 : i32
        %get3A_654 = arith.index_cast %mul3A_653 : i32 to index
        %get3A_655 = tpu.vector_load %arg6[%get3A_654] {strides = array<i32>} : memref<1024xi32, #tpu.memory_space<vmem>>, vector<16xi32>,
        %ge3A_656 = arith.constant 999424 : i32
        %ge3A_657 = vector.broadcast %ge3A_656 : i32 to vector<16xi32>
        %ge3A_658 = arith.cmpi sge, %get3A_655, %ge3A_657 : vector<16xi32>
        %sub3A = arith.constant 999424 : i32
        %sub3A_659 = vector.broadcast %sub3A : i32 to vector<16xi32>
        %sub3A_660 = arith.subi %get3A_655, %sub3A_659 : vector<16xi32>
        %jit3A = arith.constant 0 : i32
        %broadcast_in_dim3A = vector.broadcast %jit3A : i32 to vector<16xi32>
        %select_n3A = arith.select %ge3A_658, %sub3A_660, %broadcast_in_dim3A : vector<16xi1>, vector<16xi32>
        %shift_right_arithmetic3A = arith.constant 7 : i32
        %shift_right_arithmetic3A_661 = vector.broadcast %shift_right_arithmetic3A : i32 to vector<16xi32>
        %shift_right_arithmetic3A_662 = arith.shrsi %select_n3A, %shift_right_arithmetic3A_661 : vector<16xi32>
        %mul3A_663 = arith.constant 5 : i32
        %mul3A_664 = arith.muli %arg0, %mul3A_663 : i32
        %add3A_665 = vector.broadcast %mul3A_664 : i32 to vector<16xi32>
        %add3A_666 = arith.addi %shift_right_arithmetic3A_662, %add3A_665 : vector<16xi32>
        %and3A = arith.constant 127 : i32
        %and3A_667 = vector.broadcast %and3A : i32 to vector<16xi32>
        %and3A_668 = arith.andi %select_n3A, %and3A_667 : vector<16xi32>
        %broadcast_in_dim3A_669 = arith.constant 0 : i32
        %broadcast_in_dim3A_670 = vector.broadcast %broadcast_in_dim3A_669 : i32 to vector<16xi32>
        %gather3A = tpu.vector_load_idx %arg9[%add3A_666, %broadcast_in_dim3A_670, %and3A_668] : memref<10x8x128xf32, #tpu.memory_space<vmem>>[vector<16xi32>, vector<16xi32>, vector<16xi32>], vector<16xf32>,
        %mul3A_671 = arith.constant 16 : i32
        %mul3A_672 = arith.muli %scan3A_651, %mul3A_671 : i32
        %add3A_673 = arith.constant 0 : i32
        %add3A_674 = arith.addi %add3A_673, %mul3A_672 : i32
        %get3A_675 = arith.index_cast %add3A_674 : i32 to index
        %get3A_676 = tpu.vector_load %arg8[%get3A_675] {strides = array<i32>} : memref<8192xf32, #tpu.memory_space<vmem>>, vector<16xf32>,
        %select_n3A_677 = arith.select %ge3A_658, %gather3A, %get3A_676 : vector<16xi1>, vector<16xf32>
        %mul3A_678 = arith.constant 16 : i32
        %mul3A_679 = arith.muli %scan3A_651, %mul3A_678 : i32
        %add3A_680 = arith.constant 0 : i32
        %add3A_681 = arith.addi %add3A_680, %mul3A_679 : i32
        %swap3A = arith.index_cast %add3A_681 : i32 to index
        %swap3A_682 = tpu.vector_load %arg8[%swap3A] {strides = array<i32>} : memref<8192xf32, #tpu.memory_space<vmem>>, vector<16xf32>,
        tpu.vector_store %arg8[%swap3A], %select_n3A_677 {strides = array<i32>} : memref<8192xf32, #tpu.memory_space<vmem>>, vector<16xf32>,
        %broadcast_in_dim3A_683 = arith.constant 1 : i32
        %broadcast_in_dim3A_684 = vector.broadcast %broadcast_in_dim3A_683 : i32 to vector<16xi32>
        %gather3A_685 = tpu.vector_load_idx %arg9[%add3A_666, %broadcast_in_dim3A_684, %and3A_668] : memref<10x8x128xf32, #tpu.memory_space<vmem>>[vector<16xi32>, vector<16xi32>, vector<16xi32>], vector<16xf32>,
        %mul3A_686 = arith.constant 16 : i32
        %mul3A_687 = arith.muli %scan3A_651, %mul3A_686 : i32
        %add3A_688 = arith.constant 1024 : i32
        %add3A_689 = arith.addi %add3A_688, %mul3A_687 : i32
        %get3A_690 = arith.index_cast %add3A_689 : i32 to index
        %get3A_691 = tpu.vector_load %arg8[%get3A_690] {strides = array<i32>} : memref<8192xf32, #tpu.memory_space<vmem>>, vector<16xf32>,
        %select_n3A_692 = arith.select %ge3A_658, %gather3A_685, %get3A_691 : vector<16xi1>, vector<16xf32>
        %mul3A_693 = arith.constant 16 : i32
        %mul3A_694 = arith.muli %scan3A_651, %mul3A_693 : i32
        %add3A_695 = arith.constant 1024 : i32
        %add3A_696 = arith.addi %add3A_695, %mul3A_694 : i32
        %swap3A_697 = arith.index_cast %add3A_696 : i32 to index
        %swap3A_698 = tpu.vector_load %arg8[%swap3A_697] {strides = array<i32>} : memref<8192xf32, #tpu.memory_space<vmem>>, vector<16xf32>,
        tpu.vector_store %arg8[%swap3A_697], %select_n3A_692 {strides = array<i32>} : memref<8192xf32, #tpu.memory_space<vmem>>, vector<16xf32>,
        %broadcast_in_dim3A_699 = arith.constant 2 : i32
        %broadcast_in_dim3A_700 = vector.broadcast %broadcast_in_dim3A_699 : i32 to vector<16xi32>
        %gather3A_701 = tpu.vector_load_idx %arg9[%add3A_666, %broadcast_in_dim3A_700, %and3A_668] : memref<10x8x128xf32, #tpu.memory_space<vmem>>[vector<16xi32>, vector<16xi32>, vector<16xi32>], vector<16xf32>,
        %mul3A_702 = arith.constant 16 : i32
        %mul3A_703 = arith.muli %scan3A_651, %mul3A_702 : i32
        %add3A_704 = arith.constant 2048 : i32
        %add3A_705 = arith.addi %add3A_704, %mul3A_703 : i32
        %get3A_706 = arith.index_cast %add3A_705 : i32 to index
        %get3A_707 = tpu.vector_load %arg8[%get3A_706] {strides = array<i32>} : memref<8192xf32, #tpu.memory_space<vmem>>, vector<16xf32>,
        %select_n3A_708 = arith.select %ge3A_658, %gather3A_701, %get3A_707 : vector<16xi1>, vector<16xf32>
        %mul3A_709 = arith.constant 16 : i32
        %mul3A_710 = arith.muli %scan3A_651, %mul3A_709 : i32
        %add3A_711 = arith.constant 2048 : i32
        %add3A_712 = arith.addi %add3A_711, %mul3A_710 : i32
        %swap3A_713 = arith.index_cast %add3A_712 : i32 to index
        %swap3A_714 = tpu.vector_load %arg8[%swap3A_713] {strides = array<i32>} : memref<8192xf32, #tpu.memory_space<vmem>>, vector<16xf32>,
        tpu.vector_store %arg8[%swap3A_713], %select_n3A_708 {strides = array<i32>} : memref<8192xf32, #tpu.memory_space<vmem>>, vector<16xf32>,
        %broadcast_in_dim3A_715 = arith.constant 3 : i32
        %broadcast_in_dim3A_716 = vector.broadcast %broadcast_in_dim3A_715 : i32 to vector<16xi32>
        %gather3A_717 = tpu.vector_load_idx %arg9[%add3A_666, %broadcast_in_dim3A_716, %and3A_668] : memref<10x8x128xf32, #tpu.memory_space<vmem>>[vector<16xi32>, vector<16xi32>, vector<16xi32>], vector<16xf32>,
        %mul3A_718 = arith.constant 16 : i32
        %mul3A_719 = arith.muli %scan3A_651, %mul3A_718 : i32
        %add3A_720 = arith.constant 3072 : i32
        %add3A_721 = arith.addi %add3A_720, %mul3A_719 : i32
        %get3A_722 = arith.index_cast %add3A_721 : i32 to index
        %get3A_723 = tpu.vector_load %arg8[%get3A_722] {strides = array<i32>} : memref<8192xf32, #tpu.memory_space<vmem>>, vector<16xf32>,
        %select_n3A_724 = arith.select %ge3A_658, %gather3A_717, %get3A_723 : vector<16xi1>, vector<16xf32>
        %mul3A_725 = arith.constant 16 : i32
        %mul3A_726 = arith.muli %scan3A_651, %mul3A_725 : i32
        %add3A_727 = arith.constant 3072 : i32
        %add3A_728 = arith.addi %add3A_727, %mul3A_726 : i32
        %swap3A_729 = arith.index_cast %add3A_728 : i32 to index
        %swap3A_730 = tpu.vector_load %arg8[%swap3A_729] {strides = array<i32>} : memref<8192xf32, #tpu.memory_space<vmem>>, vector<16xf32>,
        tpu.vector_store %arg8[%swap3A_729], %select_n3A_724 {strides = array<i32>} : memref<8192xf32, #tpu.memory_space<vmem>>, vector<16xf32>,
        %broadcast_in_dim3A_731 = arith.constant 4 : i32
        %broadcast_in_dim3A_732 = vector.broadcast %broadcast_in_dim3A_731 : i32 to vector<16xi32>
        %gather3A_733 = tpu.vector_load_idx %arg9[%add3A_666, %broadcast_in_dim3A_732, %and3A_668] : memref<10x8x128xf32, #tpu.memory_space<vmem>>[vector<16xi32>, vector<16xi32>, vector<16xi32>], vector<16xf32>,
        %mul3A_734 = arith.constant 16 : i32
        %mul3A_735 = arith.muli %scan3A_651, %mul3A_734 : i32
        %add3A_736 = arith.constant 4096 : i32
        %add3A_737 = arith.addi %add3A_736, %mul3A_735 : i32
        %get3A_738 = arith.index_cast %add3A_737 : i32 to index
        %get3A_739 = tpu.vector_load %arg8[%get3A_738] {strides = array<i32>} : memref<8192xf32, #tpu.memory_space<vmem>>, vector<16xf32>,
        %select_n3A_740 = arith.select %ge3A_658, %gather3A_733, %get3A_739 : vector<16xi1>, vector<16xf32>
        %mul3A_741 = arith.constant 16 : i32
        %mul3A_742 = arith.muli %scan3A_651, %mul3A_741 : i32
        %add3A_743 = arith.constant 4096 : i32
        %add3A_744 = arith.addi %add3A_743, %mul3A_742 : i32
        %swap3A_745 = arith.index_cast %add3A_744 : i32 to index
        %swap3A_746 = tpu.vector_load %arg8[%swap3A_745] {strides = array<i32>} : memref<8192xf32, #tpu.memory_space<vmem>>, vector<16xf32>,
        tpu.vector_store %arg8[%swap3A_745], %select_n3A_740 {strides = array<i32>} : memref<8192xf32, #tpu.memory_space<vmem>>, vector<16xf32>,
        %broadcast_in_dim3A_747 = arith.constant 5 : i32
        %broadcast_in_dim3A_748 = vector.broadcast %broadcast_in_dim3A_747 : i32 to vector<16xi32>
        %gather3A_749 = tpu.vector_load_idx %arg9[%add3A_666, %broadcast_in_dim3A_748, %and3A_668] : memref<10x8x128xf32, #tpu.memory_space<vmem>>[vector<16xi32>, vector<16xi32>, vector<16xi32>], vector<16xf32>,
        %mul3A_750 = arith.constant 16 : i32
        %mul3A_751 = arith.muli %scan3A_651, %mul3A_750 : i32
        %add3A_752 = arith.constant 5120 : i32
        %add3A_753 = arith.addi %add3A_752, %mul3A_751 : i32
        %get3A_754 = arith.index_cast %add3A_753 : i32 to index
        %get3A_755 = tpu.vector_load %arg8[%get3A_754] {strides = array<i32>} : memref<8192xf32, #tpu.memory_space<vmem>>, vector<16xf32>,
        %select_n3A_756 = arith.select %ge3A_658, %gather3A_749, %get3A_755 : vector<16xi1>, vector<16xf32>
        %mul3A_757 = arith.constant 16 : i32
        %mul3A_758 = arith.muli %scan3A_651, %mul3A_757 : i32
        %add3A_759 = arith.constant 5120 : i32
        %add3A_760 = arith.addi %add3A_759, %mul3A_758 : i32
        %swap3A_761 = arith.index_cast %add3A_760 : i32 to index
        %swap3A_762 = tpu.vector_load %arg8[%swap3A_761] {strides = array<i32>} : memref<8192xf32, #tpu.memory_space<vmem>>, vector<16xf32>,
        tpu.vector_store %arg8[%swap3A_761], %select_n3A_756 {strides = array<i32>} : memref<8192xf32, #tpu.memory_space<vmem>>, vector<16xf32>,
        %broadcast_in_dim3A_763 = arith.constant 6 : i32
        %broadcast_in_dim3A_764 = vector.broadcast %broadcast_in_dim3A_763 : i32 to vector<16xi32>
        %gather3A_765 = tpu.vector_load_idx %arg9[%add3A_666, %broadcast_in_dim3A_764, %and3A_668] : memref<10x8x128xf32, #tpu.memory_space<vmem>>[vector<16xi32>, vector<16xi32>, vector<16xi32>], vector<16xf32>,
        %mul3A_766 = arith.constant 16 : i32
        %mul3A_767 = arith.muli %scan3A_651, %mul3A_766 : i32
        %add3A_768 = arith.constant 6144 : i32
        %add3A_769 = arith.addi %add3A_768, %mul3A_767 : i32
        %get3A_770 = arith.index_cast %add3A_769 : i32 to index
        %get3A_771 = tpu.vector_load %arg8[%get3A_770] {strides = array<i32>} : memref<8192xf32, #tpu.memory_space<vmem>>, vector<16xf32>,
        %select_n3A_772 = arith.select %ge3A_658, %gather3A_765, %get3A_771 : vector<16xi1>, vector<16xf32>
        %mul3A_773 = arith.constant 16 : i32
        %mul3A_774 = arith.muli %scan3A_651, %mul3A_773 : i32
        %add3A_775 = arith.constant 6144 : i32
        %add3A_776 = arith.addi %add3A_775, %mul3A_774 : i32
        %swap3A_777 = arith.index_cast %add3A_776 : i32 to index
        %swap3A_778 = tpu.vector_load %arg8[%swap3A_777] {strides = array<i32>} : memref<8192xf32, #tpu.memory_space<vmem>>, vector<16xf32>,
        tpu.vector_store %arg8[%swap3A_777], %select_n3A_772 {strides = array<i32>} : memref<8192xf32, #tpu.memory_space<vmem>>, vector<16xf32>,
        %broadcast_in_dim3A_779 = arith.constant 7 : i32
        %broadcast_in_dim3A_780 = vector.broadcast %broadcast_in_dim3A_779 : i32 to vector<16xi32>
        %gather3A_781 = tpu.vector_load_idx %arg9[%add3A_666, %broadcast_in_dim3A_780, %and3A_668] : memref<10x8x128xf32, #tpu.memory_space<vmem>>[vector<16xi32>, vector<16xi32>, vector<16xi32>], vector<16xf32>,
        %mul3A_782 = arith.constant 16 : i32
        %mul3A_783 = arith.muli %scan3A_651, %mul3A_782 : i32
        %add3A_784 = arith.constant 7168 : i32
        %add3A_785 = arith.addi %add3A_784, %mul3A_783 : i32
        %get3A_786 = arith.index_cast %add3A_785 : i32 to index
        %get3A_787 = tpu.vector_load %arg8[%get3A_786] {strides = array<i32>} : memref<8192xf32, #tpu.memory_space<vmem>>, vector<16xf32>,
        %select_n3A_788 = arith.select %ge3A_658, %gather3A_781, %get3A_787 : vector<16xi1>, vector<16xf32>
        %mul3A_789 = arith.constant 16 : i32
        %mul3A_790 = arith.muli %scan3A_651, %mul3A_789 : i32
        %add3A_791 = arith.constant 7168 : i32
        %add3A_792 = arith.addi %add3A_791, %mul3A_790 : i32
        %swap3A_793 = arith.index_cast %add3A_792 : i32 to index
        %swap3A_794 = tpu.vector_load %arg8[%swap3A_793] {strides = array<i32>} : memref<8192xf32, #tpu.memory_space<vmem>>, vector<16xf32>,
        tpu.vector_store %arg8[%swap3A_793], %select_n3A_788 {strides = array<i32>} : memref<8192xf32, #tpu.memory_space<vmem>>, vector<16xf32>,
      }
      %scan3A_650 = arith.constant 64 : i32
    } else {
    }
    %mul3A_453 = arith.constant 8 : i32
    %mul3A_454 = arith.muli %arg0, %mul3A_453 : i32
    %add3A_455 = arith.constant 0 : i32
    %add3A_456 = arith.addi %mul3A_454, %add3A_455 : i32
    %dma_start3A_457 = arith.constant 0 : i32
    %dma_start3A_458 = tpu.memref_slice %arg8[%dma_start3A_457] : memref<8192xf32, #tpu.memory_space<vmem>> -> memref<1024xf32, #tpu.memory_space<vmem>>
    %dma_start3A_459 = tpu.memref_slice %arg5[%add3A_456, %mul3A_0] : memref<16x16384xf32, #tpu.memory_space<hbm>> -> memref<1x1024xf32, #tpu.memory_space<hbm>>
    %dma_start3A_460 = tpu.memref_squeeze %dma_start3A_459 : memref<1x1024xf32, #tpu.memory_space<hbm>> -> memref<1024xf32, #tpu.memory_space<hbm>>
    %dma_start3A_461 = tpu.memref_slice %arg5[%add3A_456, %mul3A_0] : memref<16x16384xf32, #tpu.memory_space<hbm>> -> memref<1x1024xf32, #tpu.memory_space<hbm>>
    %dma_start3A_462 = tpu.memref_squeeze %dma_start3A_461 : memref<1x1024xf32, #tpu.memory_space<hbm>> -> memref<1024xf32, #tpu.memory_space<hbm>>
    %dma_start3A_463 = arith.constant 0 : i32
    %dma_start3A_464 = tpu.memref_slice %arg8[%dma_start3A_463] : memref<8192xf32, #tpu.memory_space<vmem>> -> memref<1024xf32, #tpu.memory_space<vmem>>
    tpu.enqueue_dma source(%dma_start3A_464 : memref<1024xf32, #tpu.memory_space<vmem>>) target(%dma_start3A_462 : memref<1024xf32, #tpu.memory_space<hbm>>) target_semaphore(%arg11 : memref<!tpu.dma_semaphore, #tpu.memory_space<semaphore_mem>>)
    %mul3A_465 = arith.constant 8 : i32
    %mul3A_466 = arith.muli %arg0, %mul3A_465 : i32
    %add3A_467 = arith.constant 1 : i32
    %add3A_468 = arith.addi %mul3A_466, %add3A_467 : i32
    %dma_start3A_469 = arith.constant 1024 : i32
    %dma_start3A_470 = tpu.memref_slice %arg8[%dma_start3A_469] : memref<8192xf32, #tpu.memory_space<vmem>> -> memref<1024xf32, #tpu.memory_space<vmem>>
    %dma_start3A_471 = tpu.memref_slice %arg5[%add3A_468, %mul3A_0] : memref<16x16384xf32, #tpu.memory_space<hbm>> -> memref<1x1024xf32, #tpu.memory_space<hbm>>
    %dma_start3A_472 = tpu.memref_squeeze %dma_start3A_471 : memref<1x1024xf32, #tpu.memory_space<hbm>> -> memref<1024xf32, #tpu.memory_space<hbm>>
    %dma_start3A_473 = tpu.memref_slice %arg5[%add3A_468, %mul3A_0] : memref<16x16384xf32, #tpu.memory_space<hbm>> -> memref<1x1024xf32, #tpu.memory_space<hbm>>
    %dma_start3A_474 = tpu.memref_squeeze %dma_start3A_473 : memref<1x1024xf32, #tpu.memory_space<hbm>> -> memref<1024xf32, #tpu.memory_space<hbm>>
    %dma_start3A_475 = arith.constant 1024 : i32
    %dma_start3A_476 = tpu.memref_slice %arg8[%dma_start3A_475] : memref<8192xf32, #tpu.memory_space<vmem>> -> memref<1024xf32, #tpu.memory_space<vmem>>
    tpu.enqueue_dma source(%dma_start3A_476 : memref<1024xf32, #tpu.memory_space<vmem>>) target(%dma_start3A_474 : memref<1024xf32, #tpu.memory_space<hbm>>) target_semaphore(%arg11 : memref<!tpu.dma_semaphore, #tpu.memory_space<semaphore_mem>>)
    %mul3A_477 = arith.constant 8 : i32
    %mul3A_478 = arith.muli %arg0, %mul3A_477 : i32
    %add3A_479 = arith.constant 2 : i32
    %add3A_480 = arith.addi %mul3A_478, %add3A_479 : i32
    %dma_start3A_481 = arith.constant 2048 : i32
    %dma_start3A_482 = tpu.memref_slice %arg8[%dma_start3A_481] : memref<8192xf32, #tpu.memory_space<vmem>> -> memref<1024xf32, #tpu.memory_space<vmem>>
    %dma_start3A_483 = tpu.memref_slice %arg5[%add3A_480, %mul3A_0] : memref<16x16384xf32, #tpu.memory_space<hbm>> -> memref<1x1024xf32, #tpu.memory_space<hbm>>
    %dma_start3A_484 = tpu.memref_squeeze %dma_start3A_483 : memref<1x1024xf32, #tpu.memory_space<hbm>> -> memref<1024xf32, #tpu.memory_space<hbm>>
    %dma_start3A_485 = tpu.memref_slice %arg5[%add3A_480, %mul3A_0] : memref<16x16384xf32, #tpu.memory_space<hbm>> -> memref<1x1024xf32, #tpu.memory_space<hbm>>
    %dma_start3A_486 = tpu.memref_squeeze %dma_start3A_485 : memref<1x1024xf32, #tpu.memory_space<hbm>> -> memref<1024xf32, #tpu.memory_space<hbm>>
    %dma_start3A_487 = arith.constant 2048 : i32
    %dma_start3A_488 = tpu.memref_slice %arg8[%dma_start3A_487] : memref<8192xf32, #tpu.memory_space<vmem>> -> memref<1024xf32, #tpu.memory_space<vmem>>
    tpu.enqueue_dma source(%dma_start3A_488 : memref<1024xf32, #tpu.memory_space<vmem>>) target(%dma_start3A_486 : memref<1024xf32, #tpu.memory_space<hbm>>) target_semaphore(%arg11 : memref<!tpu.dma_semaphore, #tpu.memory_space<semaphore_mem>>)
    %mul3A_489 = arith.constant 8 : i32
    %mul3A_490 = arith.muli %arg0, %mul3A_489 : i32
    %add3A_491 = arith.constant 3 : i32
    %add3A_492 = arith.addi %mul3A_490, %add3A_491 : i32
    %dma_start3A_493 = arith.constant 3072 : i32
    %dma_start3A_494 = tpu.memref_slice %arg8[%dma_start3A_493] : memref<8192xf32, #tpu.memory_space<vmem>> -> memref<1024xf32, #tpu.memory_space<vmem>>
    %dma_start3A_495 = tpu.memref_slice %arg5[%add3A_492, %mul3A_0] : memref<16x16384xf32, #tpu.memory_space<hbm>> -> memref<1x1024xf32, #tpu.memory_space<hbm>>
    %dma_start3A_496 = tpu.memref_squeeze %dma_start3A_495 : memref<1x1024xf32, #tpu.memory_space<hbm>> -> memref<1024xf32, #tpu.memory_space<hbm>>
    %dma_start3A_497 = tpu.memref_slice %arg5[%add3A_492, %mul3A_0] : memref<16x16384xf32, #tpu.memory_space<hbm>> -> memref<1x1024xf32, #tpu.memory_space<hbm>>
    %dma_start3A_498 = tpu.memref_squeeze %dma_start3A_497 : memref<1x1024xf32, #tpu.memory_space<hbm>> -> memref<1024xf32, #tpu.memory_space<hbm>>
    %dma_start3A_499 = arith.constant 3072 : i32
    %dma_start3A_500 = tpu.memref_slice %arg8[%dma_start3A_499] : memref<8192xf32, #tpu.memory_space<vmem>> -> memref<1024xf32, #tpu.memory_space<vmem>>
    tpu.enqueue_dma source(%dma_start3A_500 : memref<1024xf32, #tpu.memory_space<vmem>>) target(%dma_start3A_498 : memref<1024xf32, #tpu.memory_space<hbm>>) target_semaphore(%arg11 : memref<!tpu.dma_semaphore, #tpu.memory_space<semaphore_mem>>)
    %mul3A_501 = arith.constant 8 : i32
    %mul3A_502 = arith.muli %arg0, %mul3A_501 : i32
    %add3A_503 = arith.constant 4 : i32
    %add3A_504 = arith.addi %mul3A_502, %add3A_503 : i32
    %dma_start3A_505 = arith.constant 4096 : i32
    %dma_start3A_506 = tpu.memref_slice %arg8[%dma_start3A_505] : memref<8192xf32, #tpu.memory_space<vmem>> -> memref<1024xf32, #tpu.memory_space<vmem>>
    %dma_start3A_507 = tpu.memref_slice %arg5[%add3A_504, %mul3A_0] : memref<16x16384xf32, #tpu.memory_space<hbm>> -> memref<1x1024xf32, #tpu.memory_space<hbm>>
    %dma_start3A_508 = tpu.memref_squeeze %dma_start3A_507 : memref<1x1024xf32, #tpu.memory_space<hbm>> -> memref<1024xf32, #tpu.memory_space<hbm>>
    %dma_start3A_509 = tpu.memref_slice %arg5[%add3A_504, %mul3A_0] : memref<16x16384xf32, #tpu.memory_space<hbm>> -> memref<1x1024xf32, #tpu.memory_space<hbm>>
    %dma_start3A_510 = tpu.memref_squeeze %dma_start3A_509 : memref<1x1024xf32, #tpu.memory_space<hbm>> -> memref<1024xf32, #tpu.memory_space<hbm>>
    %dma_start3A_511 = arith.constant 4096 : i32
    %dma_start3A_512 = tpu.memref_slice %arg8[%dma_start3A_511] : memref<8192xf32, #tpu.memory_space<vmem>> -> memref<1024xf32, #tpu.memory_space<vmem>>
    tpu.enqueue_dma source(%dma_start3A_512 : memref<1024xf32, #tpu.memory_space<vmem>>) target(%dma_start3A_510 : memref<1024xf32, #tpu.memory_space<hbm>>) target_semaphore(%arg11 : memref<!tpu.dma_semaphore, #tpu.memory_space<semaphore_mem>>)
    %mul3A_513 = arith.constant 8 : i32
    %mul3A_514 = arith.muli %arg0, %mul3A_513 : i32
    %add3A_515 = arith.constant 5 : i32
    %add3A_516 = arith.addi %mul3A_514, %add3A_515 : i32
    %dma_start3A_517 = arith.constant 5120 : i32
    %dma_start3A_518 = tpu.memref_slice %arg8[%dma_start3A_517] : memref<8192xf32, #tpu.memory_space<vmem>> -> memref<1024xf32, #tpu.memory_space<vmem>>
    %dma_start3A_519 = tpu.memref_slice %arg5[%add3A_516, %mul3A_0] : memref<16x16384xf32, #tpu.memory_space<hbm>> -> memref<1x1024xf32, #tpu.memory_space<hbm>>
    %dma_start3A_520 = tpu.memref_squeeze %dma_start3A_519 : memref<1x1024xf32, #tpu.memory_space<hbm>> -> memref<1024xf32, #tpu.memory_space<hbm>>
    %dma_start3A_521 = tpu.memref_slice %arg5[%add3A_516, %mul3A_0] : memref<16x16384xf32, #tpu.memory_space<hbm>> -> memref<1x1024xf32, #tpu.memory_space<hbm>>
    %dma_start3A_522 = tpu.memref_squeeze %dma_start3A_521 : memref<1x1024xf32, #tpu.memory_space<hbm>> -> memref<1024xf32, #tpu.memory_space<hbm>>
    %dma_start3A_523 = arith.constant 5120 : i32
    %dma_start3A_524 = tpu.memref_slice %arg8[%dma_start3A_523] : memref<8192xf32, #tpu.memory_space<vmem>> -> memref<1024xf32, #tpu.memory_space<vmem>>
    tpu.enqueue_dma source(%dma_start3A_524 : memref<1024xf32, #tpu.memory_space<vmem>>) target(%dma_start3A_522 : memref<1024xf32, #tpu.memory_space<hbm>>) target_semaphore(%arg11 : memref<!tpu.dma_semaphore, #tpu.memory_space<semaphore_mem>>)
    %mul3A_525 = arith.constant 8 : i32
    %mul3A_526 = arith.muli %arg0, %mul3A_525 : i32
    %add3A_527 = arith.constant 6 : i32
    %add3A_528 = arith.addi %mul3A_526, %add3A_527 : i32
    %dma_start3A_529 = arith.constant 6144 : i32
    %dma_start3A_530 = tpu.memref_slice %arg8[%dma_start3A_529] : memref<8192xf32, #tpu.memory_space<vmem>> -> memref<1024xf32, #tpu.memory_space<vmem>>
    %dma_start3A_531 = tpu.memref_slice %arg5[%add3A_528, %mul3A_0] : memref<16x16384xf32, #tpu.memory_space<hbm>> -> memref<1x1024xf32, #tpu.memory_space<hbm>>
    %dma_start3A_532 = tpu.memref_squeeze %dma_start3A_531 : memref<1x1024xf32, #tpu.memory_space<hbm>> -> memref<1024xf32, #tpu.memory_space<hbm>>
    %dma_start3A_533 = tpu.memref_slice %arg5[%add3A_528, %mul3A_0] : memref<16x16384xf32, #tpu.memory_space<hbm>> -> memref<1x1024xf32, #tpu.memory_space<hbm>>
    %dma_start3A_534 = tpu.memref_squeeze %dma_start3A_533 : memref<1x1024xf32, #tpu.memory_space<hbm>> -> memref<1024xf32, #tpu.memory_space<hbm>>
    %dma_start3A_535 = arith.constant 6144 : i32
    %dma_start3A_536 = tpu.memref_slice %arg8[%dma_start3A_535] : memref<8192xf32, #tpu.memory_space<vmem>> -> memref<1024xf32, #tpu.memory_space<vmem>>
    tpu.enqueue_dma source(%dma_start3A_536 : memref<1024xf32, #tpu.memory_space<vmem>>) target(%dma_start3A_534 : memref<1024xf32, #tpu.memory_space<hbm>>) target_semaphore(%arg11 : memref<!tpu.dma_semaphore, #tpu.memory_space<semaphore_mem>>)
    %mul3A_537 = arith.constant 8 : i32
    %mul3A_538 = arith.muli %arg0, %mul3A_537 : i32
    %add3A_539 = arith.constant 7 : i32
    %add3A_540 = arith.addi %mul3A_538, %add3A_539 : i32
    %dma_start3A_541 = arith.constant 7168 : i32
    %dma_start3A_542 = tpu.memref_slice %arg8[%dma_start3A_541] : memref<8192xf32, #tpu.memory_space<vmem>> -> memref<1024xf32, #tpu.memory_space<vmem>>
    %dma_start3A_543 = tpu.memref_slice %arg5[%add3A_540, %mul3A_0] : memref<16x16384xf32, #tpu.memory_space<hbm>> -> memref<1x1024xf32, #tpu.memory_space<hbm>>
    %dma_start3A_544 = tpu.memref_squeeze %dma_start3A_543 : memref<1x1024xf32, #tpu.memory_space<hbm>> -> memref<1024xf32, #tpu.memory_space<hbm>>
    %dma_start3A_545 = tpu.memref_slice %arg5[%add3A_540, %mul3A_0] : memref<16x16384xf32, #tpu.memory_space<hbm>> -> memref<1x1024xf32, #tpu.memory_space<hbm>>
    %dma_start3A_546 = tpu.memref_squeeze %dma_start3A_545 : memref<1x1024xf32, #tpu.memory_space<hbm>> -> memref<1024xf32, #tpu.memory_space<hbm>>
    %dma_start3A_547 = arith.constant 7168 : i32
    %dma_start3A_548 = tpu.memref_slice %arg8[%dma_start3A_547] : memref<8192xf32, #tpu.memory_space<vmem>> -> memref<1024xf32, #tpu.memory_space<vmem>>
    tpu.enqueue_dma source(%dma_start3A_548 : memref<1024xf32, #tpu.memory_space<vmem>>) target(%dma_start3A_546 : memref<1024xf32, #tpu.memory_space<hbm>>) target_semaphore(%arg11 : memref<!tpu.dma_semaphore, #tpu.memory_space<semaphore_mem>>)
    %mul3A_549 = arith.constant 8 : i32
    %mul3A_550 = arith.muli %arg0, %mul3A_549 : i32
    %add3A_551 = arith.constant 0 : i32
    %add3A_552 = arith.addi %mul3A_550, %add3A_551 : i32
    %dma_wait3A_553 = arith.constant 0 : i32
    %dma_wait3A_554 = tpu.memref_slice %arg8[%dma_wait3A_553] : memref<8192xf32, #tpu.memory_space<vmem>> -> memref<1024xf32, #tpu.memory_space<vmem>>
    %dma_wait3A_555 = tpu.memref_slice %arg5[%add3A_552, %mul3A_0] : memref<16x16384xf32, #tpu.memory_space<hbm>> -> memref<1x1024xf32, #tpu.memory_space<hbm>>
    %dma_wait3A_556 = tpu.memref_squeeze %dma_wait3A_555 : memref<1x1024xf32, #tpu.memory_space<hbm>> -> memref<1024xf32, #tpu.memory_space<hbm>>
    %dma_wait3A_557 = tpu.memref_slice %arg5[%add3A_552, %mul3A_0] : memref<16x16384xf32, #tpu.memory_space<hbm>> -> memref<1x1024xf32, #tpu.memory_space<hbm>>
    %dma_wait3A_558 = tpu.memref_squeeze %dma_wait3A_557 : memref<1x1024xf32, #tpu.memory_space<hbm>> -> memref<1024xf32, #tpu.memory_space<hbm>>
    %dma_wait3A_559 = arith.constant 0 : i32
    %dma_wait3A_560 = tpu.memref_slice %arg8[%dma_wait3A_559] : memref<8192xf32, #tpu.memory_space<vmem>> -> memref<1024xf32, #tpu.memory_space<vmem>>
    tpu.wait_dma2 semaphore(%arg11 : memref<!tpu.dma_semaphore, #tpu.memory_space<semaphore_mem>>) src(%dma_wait3A_560 : memref<1024xf32, #tpu.memory_space<vmem>>) dst(%dma_wait3A_558 : memref<1024xf32, #tpu.memory_space<hbm>>)
    %mul3A_561 = arith.constant 8 : i32
    %mul3A_562 = arith.muli %arg0, %mul3A_561 : i32
    %add3A_563 = arith.constant 1 : i32
    %add3A_564 = arith.addi %mul3A_562, %add3A_563 : i32
    %dma_wait3A_565 = arith.constant 1024 : i32
    %dma_wait3A_566 = tpu.memref_slice %arg8[%dma_wait3A_565] : memref<8192xf32, #tpu.memory_space<vmem>> -> memref<1024xf32, #tpu.memory_space<vmem>>
    %dma_wait3A_567 = tpu.memref_slice %arg5[%add3A_564, %mul3A_0] : memref<16x16384xf32, #tpu.memory_space<hbm>> -> memref<1x1024xf32, #tpu.memory_space<hbm>>
    %dma_wait3A_568 = tpu.memref_squeeze %dma_wait3A_567 : memref<1x1024xf32, #tpu.memory_space<hbm>> -> memref<1024xf32, #tpu.memory_space<hbm>>
    %dma_wait3A_569 = tpu.memref_slice %arg5[%add3A_564, %mul3A_0] : memref<16x16384xf32, #tpu.memory_space<hbm>> -> memref<1x1024xf32, #tpu.memory_space<hbm>>
    %dma_wait3A_570 = tpu.memref_squeeze %dma_wait3A_569 : memref<1x1024xf32, #tpu.memory_space<hbm>> -> memref<1024xf32, #tpu.memory_space<hbm>>
    %dma_wait3A_571 = arith.constant 1024 : i32
    %dma_wait3A_572 = tpu.memref_slice %arg8[%dma_wait3A_571] : memref<8192xf32, #tpu.memory_space<vmem>> -> memref<1024xf32, #tpu.memory_space<vmem>>
    tpu.wait_dma2 semaphore(%arg11 : memref<!tpu.dma_semaphore, #tpu.memory_space<semaphore_mem>>) src(%dma_wait3A_572 : memref<1024xf32, #tpu.memory_space<vmem>>) dst(%dma_wait3A_570 : memref<1024xf32, #tpu.memory_space<hbm>>)
    %mul3A_573 = arith.constant 8 : i32
    %mul3A_574 = arith.muli %arg0, %mul3A_573 : i32
    %add3A_575 = arith.constant 2 : i32
    %add3A_576 = arith.addi %mul3A_574, %add3A_575 : i32
    %dma_wait3A_577 = arith.constant 2048 : i32
    %dma_wait3A_578 = tpu.memref_slice %arg8[%dma_wait3A_577] : memref<8192xf32, #tpu.memory_space<vmem>> -> memref<1024xf32, #tpu.memory_space<vmem>>
    %dma_wait3A_579 = tpu.memref_slice %arg5[%add3A_576, %mul3A_0] : memref<16x16384xf32, #tpu.memory_space<hbm>> -> memref<1x1024xf32, #tpu.memory_space<hbm>>
    %dma_wait3A_580 = tpu.memref_squeeze %dma_wait3A_579 : memref<1x1024xf32, #tpu.memory_space<hbm>> -> memref<1024xf32, #tpu.memory_space<hbm>>
    %dma_wait3A_581 = tpu.memref_slice %arg5[%add3A_576, %mul3A_0] : memref<16x16384xf32, #tpu.memory_space<hbm>> -> memref<1x1024xf32, #tpu.memory_space<hbm>>
    %dma_wait3A_582 = tpu.memref_squeeze %dma_wait3A_581 : memref<1x1024xf32, #tpu.memory_space<hbm>> -> memref<1024xf32, #tpu.memory_space<hbm>>
    %dma_wait3A_583 = arith.constant 2048 : i32
    %dma_wait3A_584 = tpu.memref_slice %arg8[%dma_wait3A_583] : memref<8192xf32, #tpu.memory_space<vmem>> -> memref<1024xf32, #tpu.memory_space<vmem>>
    tpu.wait_dma2 semaphore(%arg11 : memref<!tpu.dma_semaphore, #tpu.memory_space<semaphore_mem>>) src(%dma_wait3A_584 : memref<1024xf32, #tpu.memory_space<vmem>>) dst(%dma_wait3A_582 : memref<1024xf32, #tpu.memory_space<hbm>>)
    %mul3A_585 = arith.constant 8 : i32
    %mul3A_586 = arith.muli %arg0, %mul3A_585 : i32
    %add3A_587 = arith.constant 3 : i32
    %add3A_588 = arith.addi %mul3A_586, %add3A_587 : i32
    %dma_wait3A_589 = arith.constant 3072 : i32
    %dma_wait3A_590 = tpu.memref_slice %arg8[%dma_wait3A_589] : memref<8192xf32, #tpu.memory_space<vmem>> -> memref<1024xf32, #tpu.memory_space<vmem>>
    %dma_wait3A_591 = tpu.memref_slice %arg5[%add3A_588, %mul3A_0] : memref<16x16384xf32, #tpu.memory_space<hbm>> -> memref<1x1024xf32, #tpu.memory_space<hbm>>
    %dma_wait3A_592 = tpu.memref_squeeze %dma_wait3A_591 : memref<1x1024xf32, #tpu.memory_space<hbm>> -> memref<1024xf32, #tpu.memory_space<hbm>>
    %dma_wait3A_593 = tpu.memref_slice %arg5[%add3A_588, %mul3A_0] : memref<16x16384xf32, #tpu.memory_space<hbm>> -> memref<1x1024xf32, #tpu.memory_space<hbm>>
    %dma_wait3A_594 = tpu.memref_squeeze %dma_wait3A_593 : memref<1x1024xf32, #tpu.memory_space<hbm>> -> memref<1024xf32, #tpu.memory_space<hbm>>
    %dma_wait3A_595 = arith.constant 3072 : i32
    %dma_wait3A_596 = tpu.memref_slice %arg8[%dma_wait3A_595] : memref<8192xf32, #tpu.memory_space<vmem>> -> memref<1024xf32, #tpu.memory_space<vmem>>
    tpu.wait_dma2 semaphore(%arg11 : memref<!tpu.dma_semaphore, #tpu.memory_space<semaphore_mem>>) src(%dma_wait3A_596 : memref<1024xf32, #tpu.memory_space<vmem>>) dst(%dma_wait3A_594 : memref<1024xf32, #tpu.memory_space<hbm>>)
    %mul3A_597 = arith.constant 8 : i32
    %mul3A_598 = arith.muli %arg0, %mul3A_597 : i32
    %add3A_599 = arith.constant 4 : i32
    %add3A_600 = arith.addi %mul3A_598, %add3A_599 : i32
    %dma_wait3A_601 = arith.constant 4096 : i32
    %dma_wait3A_602 = tpu.memref_slice %arg8[%dma_wait3A_601] : memref<8192xf32, #tpu.memory_space<vmem>> -> memref<1024xf32, #tpu.memory_space<vmem>>
    %dma_wait3A_603 = tpu.memref_slice %arg5[%add3A_600, %mul3A_0] : memref<16x16384xf32, #tpu.memory_space<hbm>> -> memref<1x1024xf32, #tpu.memory_space<hbm>>
    %dma_wait3A_604 = tpu.memref_squeeze %dma_wait3A_603 : memref<1x1024xf32, #tpu.memory_space<hbm>> -> memref<1024xf32, #tpu.memory_space<hbm>>
    %dma_wait3A_605 = tpu.memref_slice %arg5[%add3A_600, %mul3A_0] : memref<16x16384xf32, #tpu.memory_space<hbm>> -> memref<1x1024xf32, #tpu.memory_space<hbm>>
    %dma_wait3A_606 = tpu.memref_squeeze %dma_wait3A_605 : memref<1x1024xf32, #tpu.memory_space<hbm>> -> memref<1024xf32, #tpu.memory_space<hbm>>
    %dma_wait3A_607 = arith.constant 4096 : i32
    %dma_wait3A_608 = tpu.memref_slice %arg8[%dma_wait3A_607] : memref<8192xf32, #tpu.memory_space<vmem>> -> memref<1024xf32, #tpu.memory_space<vmem>>
    tpu.wait_dma2 semaphore(%arg11 : memref<!tpu.dma_semaphore, #tpu.memory_space<semaphore_mem>>) src(%dma_wait3A_608 : memref<1024xf32, #tpu.memory_space<vmem>>) dst(%dma_wait3A_606 : memref<1024xf32, #tpu.memory_space<hbm>>)
    %mul3A_609 = arith.constant 8 : i32
    %mul3A_610 = arith.muli %arg0, %mul3A_609 : i32
    %add3A_611 = arith.constant 5 : i32
    %add3A_612 = arith.addi %mul3A_610, %add3A_611 : i32
    %dma_wait3A_613 = arith.constant 5120 : i32
    %dma_wait3A_614 = tpu.memref_slice %arg8[%dma_wait3A_613] : memref<8192xf32, #tpu.memory_space<vmem>> -> memref<1024xf32, #tpu.memory_space<vmem>>
    %dma_wait3A_615 = tpu.memref_slice %arg5[%add3A_612, %mul3A_0] : memref<16x16384xf32, #tpu.memory_space<hbm>> -> memref<1x1024xf32, #tpu.memory_space<hbm>>
    %dma_wait3A_616 = tpu.memref_squeeze %dma_wait3A_615 : memref<1x1024xf32, #tpu.memory_space<hbm>> -> memref<1024xf32, #tpu.memory_space<hbm>>
    %dma_wait3A_617 = tpu.memref_slice %arg5[%add3A_612, %mul3A_0] : memref<16x16384xf32, #tpu.memory_space<hbm>> -> memref<1x1024xf32, #tpu.memory_space<hbm>>
    %dma_wait3A_618 = tpu.memref_squeeze %dma_wait3A_617 : memref<1x1024xf32, #tpu.memory_space<hbm>> -> memref<1024xf32, #tpu.memory_space<hbm>>
    %dma_wait3A_619 = arith.constant 5120 : i32
    %dma_wait3A_620 = tpu.memref_slice %arg8[%dma_wait3A_619] : memref<8192xf32, #tpu.memory_space<vmem>> -> memref<1024xf32, #tpu.memory_space<vmem>>
    tpu.wait_dma2 semaphore(%arg11 : memref<!tpu.dma_semaphore, #tpu.memory_space<semaphore_mem>>) src(%dma_wait3A_620 : memref<1024xf32, #tpu.memory_space<vmem>>) dst(%dma_wait3A_618 : memref<1024xf32, #tpu.memory_space<hbm>>)
    %mul3A_621 = arith.constant 8 : i32
    %mul3A_622 = arith.muli %arg0, %mul3A_621 : i32
    %add3A_623 = arith.constant 6 : i32
    %add3A_624 = arith.addi %mul3A_622, %add3A_623 : i32
    %dma_wait3A_625 = arith.constant 6144 : i32
    %dma_wait3A_626 = tpu.memref_slice %arg8[%dma_wait3A_625] : memref<8192xf32, #tpu.memory_space<vmem>> -> memref<1024xf32, #tpu.memory_space<vmem>>
    %dma_wait3A_627 = tpu.memref_slice %arg5[%add3A_624, %mul3A_0] : memref<16x16384xf32, #tpu.memory_space<hbm>> -> memref<1x1024xf32, #tpu.memory_space<hbm>>
    %dma_wait3A_628 = tpu.memref_squeeze %dma_wait3A_627 : memref<1x1024xf32, #tpu.memory_space<hbm>> -> memref<1024xf32, #tpu.memory_space<hbm>>
    %dma_wait3A_629 = tpu.memref_slice %arg5[%add3A_624, %mul3A_0] : memref<16x16384xf32, #tpu.memory_space<hbm>> -> memref<1x1024xf32, #tpu.memory_space<hbm>>
    %dma_wait3A_630 = tpu.memref_squeeze %dma_wait3A_629 : memref<1x1024xf32, #tpu.memory_space<hbm>> -> memref<1024xf32, #tpu.memory_space<hbm>>
    %dma_wait3A_631 = arith.constant 6144 : i32
    %dma_wait3A_632 = tpu.memref_slice %arg8[%dma_wait3A_631] : memref<8192xf32, #tpu.memory_space<vmem>> -> memref<1024xf32, #tpu.memory_space<vmem>>
    tpu.wait_dma2 semaphore(%arg11 : memref<!tpu.dma_semaphore, #tpu.memory_space<semaphore_mem>>) src(%dma_wait3A_632 : memref<1024xf32, #tpu.memory_space<vmem>>) dst(%dma_wait3A_630 : memref<1024xf32, #tpu.memory_space<hbm>>)
    %mul3A_633 = arith.constant 8 : i32
    %mul3A_634 = arith.muli %arg0, %mul3A_633 : i32
    %add3A_635 = arith.constant 7 : i32
    %add3A_636 = arith.addi %mul3A_634, %add3A_635 : i32
    %dma_wait3A_637 = arith.constant 7168 : i32
    %dma_wait3A_638 = tpu.memref_slice %arg8[%dma_wait3A_637] : memref<8192xf32, #tpu.memory_space<vmem>> -> memref<1024xf32, #tpu.memory_space<vmem>>
    %dma_wait3A_639 = tpu.memref_slice %arg5[%add3A_636, %mul3A_0] : memref<16x16384xf32, #tpu.memory_space<hbm>> -> memref<1x1024xf32, #tpu.memory_space<hbm>>
    %dma_wait3A_640 = tpu.memref_squeeze %dma_wait3A_639 : memref<1x1024xf32, #tpu.memory_space<hbm>> -> memref<1024xf32, #tpu.memory_space<hbm>>
    %dma_wait3A_641 = tpu.memref_slice %arg5[%add3A_636, %mul3A_0] : memref<16x16384xf32, #tpu.memory_space<hbm>> -> memref<1x1024xf32, #tpu.memory_space<hbm>>
    %dma_wait3A_642 = tpu.memref_squeeze %dma_wait3A_641 : memref<1x1024xf32, #tpu.memory_space<hbm>> -> memref<1024xf32, #tpu.memory_space<hbm>>
    %dma_wait3A_643 = arith.constant 7168 : i32
    %dma_wait3A_644 = tpu.memref_slice %arg8[%dma_wait3A_643] : memref<8192xf32, #tpu.memory_space<vmem>> -> memref<1024xf32, #tpu.memory_space<vmem>>
    tpu.wait_dma2 semaphore(%arg11 : memref<!tpu.dma_semaphore, #tpu.memory_space<semaphore_mem>>) src(%dma_wait3A_644 : memref<1024xf32, #tpu.memory_space<vmem>>) dst(%dma_wait3A_642 : memref<1024xf32, #tpu.memory_space<hbm>>)
    return
  }
}

</mosaic_0001>

<sc_bundles>
// kernel: _gather.3.cloned.1.call-start
scs
__scs_entry_jumppad:
0x0: {  	(pc) =	sbr.rel $0x88, $3  }
0x1: {  	(tag) =	ssettag $0x0;
	lr =	simm.s32 $0x1  }
0x2: {  	[smem:$0x3F9F] =	sst lr;
	_ =	strace $0xD0000000  }
0x3: {  	_ = 	snop  }
0x4: {  	_ = 	snop  }
0x5: {  	_ = 	snop  }
0x6: {  	_ = 	snop  }
0x7: {  	_ = 	snop  }
__scs_overlays_trampoline_lowered:
0x8: {  	[smem:$0x3FAE] =	sst s0  }
0x9: {  	[smem:$0x3FAF] =	sst s1  }
0xa: {  	[smem:$0x3FB0] =	sst s2  }
0xb: {  	[smem:$0x3FB1] =	sst s3  }
0xc: {  	[smem:$0x3FB2] =	sst s4  }
0xd: {  	[smem:$0x3FB3] =	sst s5  }
0xe: {  	[smem:$0x3FB4] =	sst s6  }
0xf: {  	[smem:$0x3FB5] =	sst s7  }
0x10: {  	[smem:$0x3FB6] =	sst s8  }
0x11: {  	[smem:$0x3FB7] =	sst s9;
	s0 =	simm.s32 @!p0 $0x0  }
0x12: {  	s1 =	sld [smem:$0x3F9D];
	s0 =	simm.s32 @p0 $0x1  }
0x13: {  	[smem:$0x3FB8] =	sst s0;
	s0 =	simm.s32 @!p1 $0x0  }
0x14: {  	s2 =	sld [smem:$0x3F9C];
	s0 =	simm.s32 @p1 $0x1  }
0x15: {  	[smem:$0x3FB9] =	sst s0;
	s0 =	simm.s32 @!p2 $0x0  }
0x16: {  	s3 =	sld [smem:$0x3FDB];
	s0 =	simm.s32 @p2 $0x1  }
0x17: {  	s4 =	simm.s32 $0x1BF5;
	[smem:$0x3FBB] =	sst s0  }
0x18: {  	s0 =	sld [smem:$0x3F9E];
	_ =	swait.ge [sflag:s4], $0x0  }
0x19: {  	s7 =	sld [smem:$0x3F9F]  }
0x1a: {  	s8 =	sadd.s32 $0xFFFFE003, lr  }
0x1b: {  	s9 =	sadd.s32 $0xFFFFFEF7, lr;
	s5 =	simm.s32 $0xFFFFFFFF;
	p2 =	slt.u32 s8, $0xFFFFF086  }
0x1c: {  	p1 =	slt.u32 s9, $0xF7A;
	s5 =	simm.s32 @!p2 $0x0  }
0x1d: {  	s5 =	simm.s32 @p1 $0x1;
	p0 =	seq.s32 s7, s2  }
0x1e: {  	s7 =	smul.u32 @!p0 $0xF7A, s2;
	p2 =	seq.s32 @!p0 s5, $0x0  }
0x1f: {  	s9 =	smul.u32 $0xF7A, s1;
	s8 =	simm.s32 @!p0 $0x1BF5;
	p2 =	por !p2, p0  }
0x20: {  	[sflag:s8] =	ssyncset.s32 @!p0 $0xFFFFF086;
	s6 =	sadd.s32 @!p0 s3, s7;
	s7 =	simm.s32 @!p0 $0x108  }
0x21: {  	s3 =	sadd.s32 s3, s9;
	s6 =	sadd.s32 @!p0 $0x88, s6;
	s7 =	simm.s32 @p2 $0x1082  }
0x22: {  	[simem:s7], [sflag:s8] =	dma.local @!p0 [hbm:s6], $0xF7A  }
0x23: {  	s9 =	sor.u32 $0xD0000000, s2;
	s6 =	simm.s32 $0x108;
	_ =	swait.ge @!p0 [sflag:s8], $0x0  }
0x24: {  	s3 =	sadd.s32 $0x88, s3;
	s6 =	simm.s32 @!p1 $0x1082;
	[sflag:s4] =	ssyncset.s32 $0xFFFFF086  }
0x25: {  	[simem:s6], [sflag:s4] =	dma.local [hbm:s3], $0xF7A  }
0x26: {  	[smem:$0x3F9F] =	sst s1;
	(tag) =	ssettag s2;
	_ =	strace s9  }
0x27: {  	s1 =	sld [smem:$0x3FAF]  }
0x28: {  	s2 =	sld [smem:$0x3FB0]  }
0x29: {  	s4 =	sld [smem:$0x3FB2]  }
0x2a: {  	p0 =	seq.s32 s5, $0x0;
	s5 =	sld [smem:$0x3FB3]  }
0x2b: {  	s6 =	sld [smem:$0x3FB4]  }
0x2c: {  	s7 =	sld [smem:$0x3FB5]  }
0x2d: {  	s3 =	simm.s32 $0x108;
	s8 =	sld [smem:$0x3FB6]  }
0x2e: {  	s3 =	simm.s32 @!p0 $0x1082;
	s9 =	sld [smem:$0x3FB7]  }
0x2f: {  	lr =	sadd.s32 s0, s3;
	s0 =	sld [smem:$0x3FAE]  }
0x30: {  	s3 =	sld [smem:$0x3FB1]  }
0x31: {  	[smem:$0x3FBA] =	sst s10  }
0x32: {  	s10 =	sld [smem:$0x3FB8];
	_ =	sdelay $0x3  }
0x33: {  	p0 =	seq.s32 s10, $0x1;
	s10 =	sld [smem:$0x3FBA];
	_ =	sdelay $0x3  }
0x34: {  	[smem:$0x3FBA] =	sst s10  }
0x35: {  	s10 =	sld [smem:$0x3FB9];
	_ =	sdelay $0x3  }
0x36: {  	p1 =	seq.s32 s10, $0x1;
	s10 =	sld [smem:$0x3FBA];
	_ =	sdelay $0x3  }
0x37: {  	[smem:$0x3FBA] =	sst s10  }
0x38: {  	s10 =	sld [smem:$0x3FBB]  }
0x39: {  	_ = 	snop;
	(pc) =	sbr.ind lr, $3  }
0x3a: {  	_ = 	snop  }
0x3b: {  	_ = 	snop  }
0x3c: {  	p2 =	seq.s32 s10, $0x1;
	s10 =	sld [smem:$0x3FBA]  }
0x3d: {  	_ =	shalt  }
0x3e: {  	_ =	shalt  }
0x3f: {  	_ =	shalt  }
0x40: {  	_ =	shalt  }
0x41: {  	_ =	shalt  }
0x42: {  	_ =	shalt  }
0x43: {  	_ =	shalt  }
0x44: {  	_ =	shalt  }
0x45: {  	_ =	shalt  }
0x46: {  	_ =	shalt  }
0x47: {  	_ =	shalt  }
0x48: {  	_ =	shalt  }
0x49: {  	_ =	shalt  }
0x4a: {  	_ =	shalt  }
0x4b: {  	_ =	shalt  }
0x4c: {  	_ =	shalt  }
0x4d: {  	_ =	shalt  }
0x4e: {  	_ =	shalt  }
0x4f: {  	_ =	shalt  }
0x50: {  	_ =	shalt  }
0x51: {  	_ =	shalt  }
0x52: {  	_ =	shalt  }
0x53: {  	_ =	shalt  }
0x54: {  	_ =	shalt  }
0x55: {  	_ =	shalt  }
0x56: {  	_ =	shalt  }
0x57: {  	_ =	shalt  }
0x58: {  	_ =	shalt  }
0x59: {  	_ =	shalt  }
0x5a: {  	_ =	shalt  }
0x5b: {  	_ =	shalt  }
0x5c: {  	_ =	shalt  }
0x5d: {  	_ =	shalt  }
0x5e: {  	_ =	shalt  }
0x5f: {  	_ =	shalt  }
0x60: {  	_ =	shalt  }
0x61: {  	_ =	shalt  }
0x62: {  	_ =	shalt  }
0x63: {  	_ =	shalt  }
0x64: {  	_ =	shalt  }
0x65: {  	_ =	shalt  }
0x66: {  	_ =	shalt  }
0x67: {  	_ =	shalt  }
0x68: {  	_ =	shalt  }
0x69: {  	_ =	shalt  }
0x6a: {  	_ =	shalt  }
0x6b: {  	_ =	shalt  }
0x6c: {  	_ =	shalt  }
0x6d: {  	_ =	shalt  }
0x6e: {  	_ =	shalt  }
0x6f: {  	_ =	shalt  }
0x70: {  	_ =	shalt  }
0x71: {  	_ =	shalt  }
0x72: {  	_ =	shalt  }
0x73: {  	_ =	shalt  }
0x74: {  	_ =	shalt  }
0x75: {  	_ =	shalt  }
0x76: {  	_ =	shalt  }
0x77: {  	_ =	shalt  }
0x78: {  	_ =	shalt  }
0x79: {  	_ =	shalt  }
0x7a: {  	_ =	shalt  }
0x7b: {  	_ =	shalt  }
0x7c: {  	_ =	shalt  }
0x7d: {  	_ =	shalt  }
0x7e: {  	_ =	shalt  }
0x7f: {  	_ =	shalt  }
0x80: {  	_ =	shalt  }
0x81: {  	_ =	shalt  }
0x82: {  	_ =	shalt  }
0x83: {  	_ =	shalt  }
0x84: {  	_ =	shalt  }
0x85: {  	_ =	shalt  }
0x86: {  	_ =	shalt  }
0x87: {  	_ =	shalt  }
.Lfunc_end0:
.L_simem_size_0:
called_computation_lowered:
.L_overlay_start_0:
0x88: {  	s2 =	sld [smem:$0x3FD9]  }
0x89: {  	s3 =	sld [smem:$0x3FFE];
	_ =	sdelay $0x1  }
0x8a: {  	s1 =	srdreg.scid  }
0x8b: {  	s0 =	sand.u32 $0x1, s1  }
0x8c: {  	s17 =	sshll.u32 s0, $0xA;
	s2 =	sadd.s32 s3, s2  }
0x8d: {  	s2 =	sadd.s32 s2, s17  }
0x8e: {  	[smem:$0x3FC6] =	sst s2  }
0x8f: {  	_ = 	snop  }
0x90: {  	s2 =	sld [smem:$0x3FC9]  }
0x91: {  	s18 =	sld [smem:$0x3FC8]  }
0x92: {  	s4 =	sld [smem:$0x3FD0];
	(tm) =	ssettm $0x1  }
0x93: {  	s5 =	sld [smem:$0x3FFB];
	_ =	sdelay $0x3  }
0x94: {  	_ =	strace s5  }
0x95: {  	s5 =	sld [smem:$0x3FFC];
	_ =	sdelay $0x3  }
0x96: {  	_ =	strace s5  }
0x97: {  	s5 =	sld [smem:$0x3FFD];
	_ =	sdelay $0x3  }
0x98: {  	_ =	strace s5  }
0x99: {  	_ =	strace $0x8FFFFFFF  }
0x9a: {  	s19 =	sld [smem:$0x3FDB];
	_ =	sdelay $0x1  }
0x9b: {  	s6 =	simm.s32 $_scs_section_size  }
0x9c: {  	s7 =	simm.s32 $_size__tile_overlayer_lowered;
	s8 =	simm.s32 $_tile_overlayer_lowered  }
0x9d: {  	s22 =	simm.s32 $0x1BFF;
	s21 =	sshll.u32 s8, $0x1;
	s5 =	sadd.s32 s6, s19  }
0x9e: {  	s9 =	simm.s32 $0x0;
	s20 =	sshll.u32 s7, $0x1;
	s7 =	sadd.s32 s21, s5  }
0x9f: {  	[timem:s9], [sflag:s22] =	dma.local [hbm:s7], s20  }
0xa0: {  	_ =	swait.ge [sflag:s22], s20  }
0xa1: {  	s6 =	ssub.s32 $0x0, s20;
	[sflag:s22] =	ssyncset.done $0x0  }
0xa2: {  	[sflag:s22] =	ssyncadd.s32 s6;
	_ =	sdelay $0x1  }
0xa3: {  	s23 =	simm.s32 $0x1B8B  }
0xa4: {  	_ =	swait.ge [sflag:s23], $0x1  }
0xa5: {  	[sflag:s23] =	ssyncset.done $0x0  }
0xa6: {  	s25 =	simm.s32 $0x1B8E;
	s24 =	sld [smem:$0x3FFE];
	[sflag:s23] =	ssyncadd.s32 $0xFFFFFFFF  }
0xa7: {  	s26 =	simm.s32 $execute0_lowered;
	[smem:$0x3FD2] =	sst s25  }
0xa8: {  	s7 =	sshll.u32 s26, $0x1;
	_ =	strace $0x80000046;
	[dreg:$0x1] =	wrdreg $0xFFFFFFFF  }
0xa9: {  	s28 =	simm.s32 $_size_execute0_lowered;
	s5 =	sadd.s32 s5, s7;
	[dreg:$0x0] =	wrdreg $0x0  }
0xaa: {  	s7 =	sshll.u32 s28, $0x1;
	[dreg:$0x2] =	wrdreg s5  }
0xab: {  	[dreg:$0x3] =	wrdreg s7  }
0xac: {  	[dreg:$0x4] =	wrdreg $0xC0  }
0xad: {  	_ =	task [dreg:s9], $0x5FFFF  }
0xae: {  	[dreg:$0x1] =	wrdreg $0xFFFFFFFF  }
0xaf: {  	[dreg:$0x0] =	wrdreg $0x60  }
0xb0: {  	[dreg:$0x2] =	wrdreg s2  }
0xb1: {  	[dreg:$0x3] =	wrdreg s18  }
0xb2: {  	[dreg:$0x4] =	wrdreg s24  }
0xb3: {  	[dreg:$0x5] =	wrdreg s4  }
0xb4: {  	[dreg:$0x6] =	wrdreg $0x50000  }
0xb5: {  	[dreg:$0x7] =	wrdreg $0x9  }
0xb6: {  	_ =	task.clear_ibuf [dreg:s9], $0x8FFFF;
	_ =	strace $0x90000046  }
0xb7: {  	s29 =	simm.s32 $0x9;
	_ =	strace $0x80000048  }
0xb8: {  	_ =	swait.ge [sflag:s29], $0x1  }
0xb9: {  	[sflag:s29] =	ssyncadd.s32 $0xFFFFFFFF  }
0xba: {  	_ =	strace $0x90000048  }
0xbb: {  	_ =	sfence  }
0xbc: {  	s30 =	sld [smem:$0x0];
	_ =	sdelay $0x2  }
0xbd: {  	s31 =	sshll.u32 s1, $0xD;
	s1 =	sshrl.u32 s1, $0x2  }
0xbe: {  	s3 =	sand.u32 $0x4000, s31;
	s1 =	sadd.s32 s1, s30  }
0xbf: {  	s0 =	sor.u32 s3, s0;
	s1 =	sshll.u32 s1, $0x11  }
0xc0: {  	s0 =	sor.u32 s1, s0  }
0xc1: {  	s0 =	sadd.s32 $0x8F2B, s0  }
0xc2: {  	[sflag:s0] =	ssyncadd.remote.s32 $0x1  }
0xc3: {  	_ =	sfence.sel $0xFFFF  }
0xc4: {  	[dreg:$0x0] =	wrdreg $0xFFFFFFFF;
	(pc) =	sbr.abs _section_cstart, $3  }
0xc5: {  	[dreg:$0x1] =	wrdreg $0xFFFFFFFF  }
0xc6: {  	_ =	task.clear_ibuf [dreg:s9], $0x2FFFF;
	_ =	strace $0x9FFFFFFF  }
0xc7: {  	(tm) =	ssettm $0x7FFFFFFF  }
tec
execute0_lowered:
.L_overlay_start_1:
0x0: {  	(tag) =	ssettag $0x1  }
0x1: {  	s0 =	rddreg [dreg:$0x0]  }
0x2: {  	s2 =	rddreg [dreg:$0x1]  }
0x3: {  	s4 =	rddreg [dreg:$0x2]  }
0x4: {  	s7 =	rddreg [dreg:$0x3]  }
0x5: {  	s1 =	rddreg [dreg:$0x4];
	s3 =	simm.s32 $0x0  }
0x6: {  	s5 =	srdreg.scid;
	s15 =	stileid.u32;
	s30 =	simm.s32 $0x1  }
0x7: {  	s31 =	simm.s32 $0x2800;
	[smem:$0x7FF] =	sst s3;
	s9 =	sand.u32 $0x1, s5  }
0x8: {  	s20 =	sand.u32 $0x7, s15;
	s8 =	sshrl.u32 s15, $0x3;
	s12 =	sadd.s32 $0x400, s4  }
0x9: {  	s25 =	sshll.u32 s15, $0x7;
	s26 =	sshll.u32 s15, $0x6;
	s10 =	smul.u32 $0x7A1400, s9  }
0xa: {  	s18 =	sadd.s32 $0x480, s4;
	s19 =	sadd.s32 $0x500, s4;
	s11 =	smul.u32 $0x66000, s20  }
0xb: {  	_ =	strace $0x80000047;
	[dreg:$0x6] =	wrdreg s12;
	s13 =	smul.u32 $0x66000, s8  }
0xc: {  	s6 =	ssub.s32 $0x2, s9;
	s14 =	smul.u32 $0xCC00, s8;
	[dreg:$0x9] =	wrdreg s18  }
0xd: {  	[dreg:$0xa] =	wrdreg s19;
	s18 =	sadd.s32 $0x880, s4;
	s21 =	sshrl.u32 s6, $0x1  }
0xe: {  	s12 =	ssub.s32 s6, s21;
	s22 =	sshrl.u32 s11, $0x2;
	s11 =	sshll.u32 s20, $0x7  }
0xf: {  	s23 =	sadd.s32 s10, s13;
	s20 =	sadd.s32 $0x580, s4;
	s21 =	sadd.s32 $0x600, s4  }
0x10: {  	s6 =	sadd.s32 s22, s1;
	s24 =	sor.u32 s11, s23;
	[dreg:$0xb] =	wrdreg s20  }
0x11: {  	[dreg:$0xc] =	wrdreg s21;
	s22 =	sadd.s32 $0x680, s4;
	s23 =	sadd.s32 $0x700, s4  }
0x12: {  	s5 =	sadd.s32 s14, s6;
	s8 =	sshrl.u32 s24, $0x3;
	[dreg:$0xd] =	wrdreg s22  }
0x13: {  	s6 =	sadd.s32 s0, s25;
	[dreg:$0xe] =	wrdreg s23;
	s24 =	sor.u32 s11, s10  }
0x14: {  	s25 =	sshll.u32 s15, $0xA;
	s15 =	sadd.s32 $0x780, s4;
	s16 =	sadd.s32 s2, s8  }
0x15: {  	s8 =	sor.u32 $0x1C02, s26;
	s17 =	sadd.s32 $0x40, s6;
	[dreg:$0xf] =	wrdreg s15  }
0x16: {  	s26 =	sshll.u32 s9, $0xE;
	s0 =	sshrl.u32 s24, $0x3;
	[dreg:$0x7] =	wrdreg s16  }
0x17: {  	s24 =	smax.u32 s12, $0x1;
	[dreg:$0x8] =	wrdreg s17;
	s10 =	sor.u32 s25, s26  }
0x18: {  	s16 =	sadd.s32 $0x800, s4;
	s17 =	smul.u32 $0x5, s9;
	s0 =	sadd.s32 s0, s14  }
.Ltmp0:
0x19: {  	s4 =	simm.s32 $0x400;
	[dreg:$0x10] =	wrdreg s16;
	(pc) =	sbr.rel .LBB2_1-.Ltmp0, $4  }
0x1a: {  	s19 =	sadd.s32 s7, s10;
	s22 =	sadd.s32 s2, s0;
	s0 =	simm.s32 $0x80  }
0x1b: {  	s2 =	simm.s32 $0x2;
	s7 =	simm.s32 $0x0;
	s20 =	sadd.s32 $0x10, s19  }
0x1c: {  	s21 =	sadd.s32 $0x20, s19;
	s23 =	sadd.s32 $0x30, s19;
	s25 =	sadd.s32 $0x40, s19  }
0x1d: {  	s26 =	sadd.s32 $0x50, s19;
	s28 =	sadd.s32 $0x60, s19;
	s29 =	sadd.s32 $0x70, s19;
	v0 =	vmov s17  }
.LBB2_15:
0x1e: {  	s9 =	simm.s32 $0x800  }
0x1f: {  	[hbm4b:s19+s0] =	stream.strided.scatter [tilespmem:s9], [sflag:$0x1], $0x400, s4, s0, $0x38;
	[tilespmem:$0x1E800] =	vst v63  }
0x20: {  	s11 =	simm.s32 $0xC00  }
0x21: {  	[hbm4b:s20+s0] =	stream.strided.scatter [tilespmem:s11], [sflag:$0x1], $0x400, s4, s0, $0x38;
	[tilespmem:$0x1E800] =	vst v63  }
0x22: {  	s12 =	simm.s32 $0x1000  }
0x23: {  	[hbm4b:s21+s0] =	stream.strided.scatter [tilespmem:s12], [sflag:$0x1], $0x400, s4, s0, $0x38;
	[tilespmem:$0x1E800] =	vst v63  }
0x24: {  	s13 =	simm.s32 $0x1400  }
0x25: {  	[hbm4b:s23+s0] =	stream.strided.scatter [tilespmem:s13], [sflag:$0x1], $0x400, s4, s0, $0x38;
	[tilespmem:$0x1E800] =	vst v63  }
0x26: {  	s14 =	simm.s32 $0x1800  }
0x27: {  	[hbm4b:s25+s0] =	stream.strided.scatter [tilespmem:s14], [sflag:$0x1], $0x400, s4, s0, $0x38;
	[tilespmem:$0x1E800] =	vst v63  }
0x28: {  	s15 =	simm.s32 $0x1C00  }
0x29: {  	[hbm4b:s26+s0] =	stream.strided.scatter [tilespmem:s15], [sflag:$0x1], $0x400, s4, s0, $0x38;
	[tilespmem:$0x1E800] =	vst v63  }
0x2a: {  	s16 =	simm.s32 $0x2000  }
0x2b: {  	[hbm4b:s28+s0] =	stream.strided.scatter [tilespmem:s16], [sflag:$0x1], $0x400, s4, s0, $0x38;
	[tilespmem:$0x1E800] =	vst v63  }
0x2c: {  	s17 =	simm.s32 $0x2400  }
0x2d: {  	[hbm4b:s29+s0] =	stream.strided.scatter [tilespmem:s17], [sflag:$0x1], $0x400, s4, s0, $0x38;
	[tilespmem:$0x1E800] =	vst v63  }
0x2e: {  	_ =	swait.ge [sflag:s30], $0x400  }
0x2f: {  	[sflag:s30] =	ssyncset.done $0x0  }
0x30: {  	[sflag:s30] =	ssyncadd.s32 $0xFFFFFC00  }
0x31: {  	_ =	swait.ge [sflag:s30], $0x400  }
0x32: {  	[sflag:s30] =	ssyncset.done $0x0  }
0x33: {  	[sflag:s30] =	ssyncadd.s32 $0xFFFFFC00  }
0x34: {  	_ =	swait.ge [sflag:s30], $0x400  }
0x35: {  	[sflag:s30] =	ssyncset.done $0x0  }
0x36: {  	[sflag:s30] =	ssyncadd.s32 $0xFFFFFC00  }
0x37: {  	_ =	swait.ge [sflag:s30], $0x400  }
0x38: {  	[sflag:s30] =	ssyncset.done $0x0  }
0x39: {  	[sflag:s30] =	ssyncadd.s32 $0xFFFFFC00  }
0x3a: {  	_ =	swait.ge [sflag:s30], $0x400  }
0x3b: {  	[sflag:s30] =	ssyncset.done $0x0  }
0x3c: {  	[sflag:s30] =	ssyncadd.s32 $0xFFFFFC00  }
0x3d: {  	_ =	swait.ge [sflag:s30], $0x400  }
0x3e: {  	[sflag:s30] =	ssyncset.done $0x0  }
0x3f: {  	s7 =	sadd.s32 $0x1, s7;
	[sflag:s30] =	ssyncadd.s32 $0xFFFFFC00  }
0x40: {  	p0 =	sne.s32 s7, s24;
	_ =	swait.ge [sflag:s30], $0x400  }
.Ltmp1:
0x41: {  	[sflag:s30] =	ssyncset.done $0x0;
	(pc) =	sbr.rel @!p0 .LBB2_16-.Ltmp1, $4  }
0x42: {  	[sflag:s30] =	ssyncadd.s32 $0xFFFFFC00  }
0x43: {  	_ =	swait.ge [sflag:s30], $0x400  }
0x44: {  	[sflag:s30] =	ssyncset.done $0x0  }
0x45: {  	[sflag:s30] =	ssyncadd.s32 $0xFFFFFC00  }
.LBB2_1:
0x46: {  	s9 =	sshrl.u32 s5, $0x3;
	s10 =	rddreg [dreg:$0x7];
	s11 =	simm.s32 $0x10  }
0x47: {  	[spmem:s9@s11], [sflag:s8] =	dma.strided [hbm:s10@s0], $0x1980, s30, $0x10   }
0x48: {  	[tilespmem:s3], [sflag:$0x1] =	stream.linear.gather [hbm4b:s6+s3], $0x200, $0x38;
	[tilespmem:$0x1E800] =	vst v63  }
0x49: {  	s14 =	simm.s32 $0x200;
	s9 =	rddreg [dreg:$0x8]  }
0x4a: {  	[tilespmem:s14], [sflag:$0x1] =	stream.linear.gather [hbm4b:s9+s3], $0x200, $0x38;
	[tilespmem:$0x1E800] =	vst v63  }
0x4b: {  	s15 =	rddreg [dreg:$0x6]  }
0x4c: {  	[tilespmem:s31], [sflag:$0x1] =	stream.linear.gather [hbm4b:s15+s3], $0x400, $0x38;
	[tilespmem:$0x1E800] =	vst v63  }
0x4d: {  	s17 =	simm.s32 $0x2C00;
	s16 =	rddreg [dreg:$0x9]  }
0x4e: {  	[tilespmem:s17], [sflag:$0x1] =	stream.linear.gather [hbm4b:s16+s3], $0x400, $0x38;
	[tilespmem:$0x1E800] =	vst v63  }
0x4f: {  	s11 =	simm.s32 $0x3000;
	s10 =	rddreg [dreg:$0xa]  }
0x50: {  	[tilespmem:s11], [sflag:$0x1] =	stream.linear.gather [hbm4b:s10+s3], $0x400, $0x38;
	[tilespmem:$0x1E800] =	vst v63  }
0x51: {  	s13 =	simm.s32 $0x3400;
	s12 =	rddreg [dreg:$0xb]  }
0x52: {  	[tilespmem:s13], [sflag:$0x1] =	stream.linear.gather [hbm4b:s12+s3], $0x400, $0x38;
	[tilespmem:$0x1E800] =	vst v63  }
0x53: {  	s14 =	rddreg [dreg:$0xc];
	s15 =	simm.s32 $0x3800  }
0x54: {  	[tilespmem:s15], [sflag:$0x1] =	stream.linear.gather [hbm4b:s14+s3], $0x400, $0x38;
	[tilespmem:$0x1E800] =	vst v63  }
0x55: {  	s16 =	rddreg [dreg:$0xd];
	s17 =	simm.s32 $0x3C00  }
0x56: {  	[tilespmem:s17], [sflag:$0x1] =	stream.linear.gather [hbm4b:s16+s3], $0x400, $0x38;
	[tilespmem:$0x1E800] =	vst v63  }
0x57: {  	s11 =	rddreg [dreg:$0xe];
	s12 =	simm.s32 $0x4000  }
0x58: {  	[tilespmem:s12], [sflag:$0x1] =	stream.linear.gather [hbm4b:s11+s3], $0x400, $0x38;
	[tilespmem:$0x1E800] =	vst v63  }
0x59: {  	s13 =	rddreg [dreg:$0xf];
	s14 =	simm.s32 $0x4400  }
0x5a: {  	[tilespmem:s14], [sflag:$0x1] =	stream.linear.gather [hbm4b:s13+s3], $0x400, $0x38;
	[tilespmem:$0x1E800] =	vst v63  }
0x5b: {  	s15 =	rddreg [dreg:$0x10];
	s16 =	simm.s32 $0x4800  }
0x5c: {  	[tilespmem:s16], [sflag:$0x1] =	stream.linear.gather [hbm4b:s15+s3], $0x400, $0x38;
	[tilespmem:$0x1E800] =	vst v63  }
0x5d: {  	s17 =	simm.s32 $0x4C00  }
0x5e: {  	[tilespmem:s17], [sflag:$0x1] =	stream.linear.gather [hbm4b:s18+s3], $0x400, $0x38;
	[tilespmem:$0x1E800] =	vst v63  }
0x5f: {  	_ =	swait.ge [sflag:s30], $0x200  }
0x60: {  	[sflag:s30] =	ssyncset.done $0x0  }
0x61: {  	[sflag:s30] =	ssyncadd.s32 $0xFFFFFE00  }
0x62: {  	_ =	swait.ge [sflag:s30], $0x200  }
0x63: {  	[sflag:s30] =	ssyncset.done $0x0  }
0x64: {  	[sflag:s30] =	ssyncadd.s32 $0xFFFFFE00  }
0x65: {  	_ =	swait.ge [sflag:s30], $0x400  }
0x66: {  	[sflag:s30] =	ssyncset.done $0x0  }
0x67: {  	[sflag:s30] =	ssyncadd.s32 $0xFFFFFC00  }
0x68: {  	_ =	swait.ge [sflag:s30], $0x400  }
0x69: {  	[sflag:s30] =	ssyncset.done $0x0  }
0x6a: {  	[sflag:s30] =	ssyncadd.s32 $0xFFFFFC00  }
0x6b: {  	_ =	swait.ge [sflag:s30], $0x400  }
0x6c: {  	[sflag:s30] =	ssyncset.done $0x0  }
0x6d: {  	[sflag:s30] =	ssyncadd.s32 $0xFFFFFC00  }
0x6e: {  	_ =	swait.ge [sflag:s30], $0x400  }
0x6f: {  	[sflag:s30] =	ssyncset.done $0x0  }
0x70: {  	[sflag:s30] =	ssyncadd.s32 $0xFFFFFC00  }
0x71: {  	_ =	swait.ge [sflag:s30], $0x400  }
0x72: {  	[sflag:s30] =	ssyncset.done $0x0  }
0x73: {  	[sflag:s30] =	ssyncadd.s32 $0xFFFFFC00  }
0x74: {  	_ =	swait.ge [sflag:s30], $0x400  }
0x75: {  	[sflag:s30] =	ssyncset.done $0x0  }
0x76: {  	[sflag:s30] =	ssyncadd.s32 $0xFFFFFC00  }
0x77: {  	_ =	swait.ge [sflag:s30], $0x400  }
0x78: {  	[sflag:s30] =	ssyncset.done $0x0  }
0x79: {  	[sflag:s30] =	ssyncadd.s32 $0xFFFFFC00  }
0x7a: {  	_ =	swait.ge [sflag:s30], $0x400  }
0x7b: {  	[sflag:s30] =	ssyncset.done $0x0  }
0x7c: {  	[sflag:s30] =	ssyncadd.s32 $0xFFFFFC00  }
0x7d: {  	_ =	swait.ge [sflag:s30], $0x400  }
0x7e: {  	[sflag:s30] =	ssyncset.done $0x0  }
0x7f: {  	[sflag:s30] =	ssyncadd.s32 $0xFFFFFC00  }
0x80: {  	_ =	swait.ge [sflag:s30], $0x400  }
0x81: {  	[sflag:s30] =	ssyncset.done $0x0  }
0x82: {  	[sflag:s30] =	ssyncadd.s32 $0xFFFFFC00  }
0x83: {  	_ =	swait.ge [sflag:s2], $0x1980  }
0x84: {  	[sflag:s2] =	ssyncset.done $0x0  }
0x85: {  	[sflag:s2] =	ssyncadd.s32 $0xFFFFE680  }
0x86: {  	s9 =	simm.s32 $0x0;
	[bflag:$0x0] =	sbarrier.arrive $0xFFFF  }
.LBB2_2:
0x87: {  	s10 =	sadd.s32 $0x1, s9;
	p0 =	seq.s32 s9, $0x9  }
0x88: {  	s11 =	sand.u32 @!p0 $0x1, s10  }
0x89: {  	p1 =	seq.s32 @!p0 s11, $0x1  }
0x8a: {  	s12 =	simm.s32 @!p0 $0xCC000;
	s11 =	smul.u32 @!p0 $0x19800, s10;
	p1 =	por !p1, p0  }
0x8b: {  	s15 =	simm.s32 @!p0 $0x1;
	s12 =	simm.s32 @p1 $0x0  }
0x8c: {  	s16 =	simm.s32 @!p0 $0x10;
	s11 =	smin.u32 @!p0 s11, $0xDA800;
	s12 =	sadd.s32 @!p0 s12, s5  }
0x8d: {  	s17 =	simm.s32 @!p0 $0x80;
	s11 =	sadd.s32 @!p0 s22, s11;
	s12 =	sshrl.u32 @!p0 s12, $0x3  }
0x8e: {  	[spmem:s12@s16], [sflag:s8] =	dma.strided @!p0 [hbm:s11@s17], $0x1980, s15, $0x10   }
0x8f: {  	s12 =	simm.s32 $0x40  }
0x90: {  	s13 =	smul.u32 $0x19800, s9;
	v4 =	vld [tilespmem:s12+$0xFFFFFFC0];
	_ =	sdelay $0x1  }
0x91: {  	s14 =	smin.u32 s13, $0xDA800  }
0x92: {  	s17 =	sadd.s32 $0x19800, s14  }
0x93: {  	v1 =	vmov s13;
	v2 =	vmov s17  }
0x94: {  	v3 =	vmov s14;
	vm0 =	vge.s32 v4, v1;
	vm1 =	vlt.s32 v4, v2  }
0x95: {  	v4 =	vsub.s32 v4, v3;
	vm0 =	vmand vm0, vm1  }
0x96: {  	s11 =	simm.s32 $0x440;
	v4 =	vnsel vm0, $0xFFFFFFFF, v4  }
0x97: {  	[tilespmem:s11+$0xFFFFFFC0] =	vst v4  }
0x98: {  	v4 =	vld [tilespmem:s12+$0xFFFFFFD0];
	_ =	sdelay $0x4  }
0x99: {  	vm14 =	vge.s32 v4, v1;
	vm15 =	vlt.s32 v4, v2  }
0x9a: {  	v4 =	vsub.s32 v4, v3;
	vm0 =	vmand vm14, vm15  }
0x9b: {  	v4 =	vnsel vm0, $0xFFFFFFFF, v4  }
0x9c: {  	[tilespmem:s11+$0xFFFFFFD0] =	vst v4  }
0x9d: {  	v4 =	vld [tilespmem:s12+$0xFFFFFFE0];
	_ =	sdelay $0x4  }
0x9e: {  	vm4 =	vge.s32 v4, v1;
	vm5 =	vlt.s32 v4, v2  }
0x9f: {  	v4 =	vsub.s32 v4, v3;
	vm0 =	vmand vm4, vm5  }
0xa0: {  	v4 =	vnsel vm0, $0xFFFFFFFF, v4  }
0xa1: {  	[tilespmem:s11+$0xFFFFFFE0] =	vst v4  }
0xa2: {  	v4 =	vld [tilespmem:s12+$0xFFFFFFF0];
	_ =	sdelay $0x4  }
0xa3: {  	vm6 =	vge.s32 v4, v1;
	vm7 =	vlt.s32 v4, v2  }
0xa4: {  	v4 =	vsub.s32 v4, v3;
	vm0 =	vmand vm6, vm7  }
0xa5: {  	v4 =	vnsel vm0, $0xFFFFFFFF, v4  }
0xa6: {  	[tilespmem:s11+$0xFFFFFFF0] =	vst v4  }
0xa7: {  	v4 =	vld [tilespmem:s12+$0x0];
	_ =	sdelay $0x4  }
0xa8: {  	vm8 =	vge.s32 v4, v1;
	vm9 =	vlt.s32 v4, v2  }
0xa9: {  	v4 =	vsub.s32 v4, v3;
	vm0 =	vmand vm8, vm9  }
0xaa: {  	v4 =	vnsel vm0, $0xFFFFFFFF, v4  }
0xab: {  	[tilespmem:s11+$0x0] =	vst v4  }
0xac: {  	v4 =	vld [tilespmem:s12+$0x10];
	_ =	sdelay $0x4  }
0xad: {  	vm10 =	vge.s32 v4, v1;
	vm11 =	vlt.s32 v4, v2  }
0xae: {  	v4 =	vsub.s32 v4, v3;
	vm0 =	vmand vm10, vm11  }
0xaf: {  	v4 =	vnsel vm0, $0xFFFFFFFF, v4  }
0xb0: {  	[tilespmem:s11+$0x10] =	vst v4  }
0xb1: {  	v4 =	vld [tilespmem:s12+$0x20];
	_ =	sdelay $0x4  }
0xb2: {  	vm12 =	vge.s32 v4, v1;
	vm13 =	vlt.s32 v4, v2  }
0xb3: {  	v4 =	vsub.s32 v4, v3;
	vm0 =	vmand vm12, vm13  }
0xb4: {  	v4 =	vnsel vm0, $0xFFFFFFFF, v4  }
0xb5: {  	[tilespmem:s11+$0x20] =	vst v4  }
0xb6: {  	v4 =	vld [tilespmem:s12+$0x30];
	_ =	sdelay $0x4  }
0xb7: {  	vm14 =	vge.s32 v4, v1;
	vm15 =	vlt.s32 v4, v2  }
0xb8: {  	v4 =	vsub.s32 v4, v3;
	vm0 =	vmand vm14, vm15  }
0xb9: {  	s13 =	simm.s32 $0x0;
	v4 =	vnsel vm0, $0xFFFFFFFF, v4  }
.LBB2_3:
0xba: {  	s13 =	sadd.s32 $0x8, s13;
	[tilespmem:s11+$0x30] =	vst v4;
	s12 =	sadd.s32 $0x80, s12;
	s11 =	sadd.s32 $0x80, s11  }
0xbb: {  	v4 =	vld [tilespmem:s12+$0xFFFFFFC0];
	p0 =	slt.u32 s13, $0x38;
	_ =	sdelay $0x4  }
0xbc: {  	vm0 =	vge.s32 v4, v1;
	vm1 =	vlt.s32 v4, v2  }
0xbd: {  	v4 =	vsub.s32 v4, v3;
	vm0 =	vmand vm0, vm1  }
0xbe: {  	v4 =	vnsel vm0, $0xFFFFFFFF, v4  }
0xbf: {  	[tilespmem:s11+$0xFFFFFFC0] =	vst v4  }
0xc0: {  	v4 =	vld [tilespmem:s12+$0xFFFFFFD0];
	_ =	sdelay $0x4  }
0xc1: {  	vm0 =	vge.s32 v4, v1;
	vm1 =	vlt.s32 v4, v2  }
0xc2: {  	v4 =	vsub.s32 v4, v3;
	vm0 =	vmand vm0, vm1  }
0xc3: {  	v4 =	vnsel vm0, $0xFFFFFFFF, v4  }
0xc4: {  	[tilespmem:s11+$0xFFFFFFD0] =	vst v4  }
0xc5: {  	v4 =	vld [tilespmem:s12+$0xFFFFFFE0];
	_ =	sdelay $0x4  }
0xc6: {  	vm0 =	vge.s32 v4, v1;
	vm1 =	vlt.s32 v4, v2  }
0xc7: {  	v4 =	vsub.s32 v4, v3;
	vm0 =	vmand vm0, vm1  }
0xc8: {  	v4 =	vnsel vm0, $0xFFFFFFFF, v4  }
0xc9: {  	[tilespmem:s11+$0xFFFFFFE0] =	vst v4  }
0xca: {  	v4 =	vld [tilespmem:s12+$0xFFFFFFF0];
	_ =	sdelay $0x4  }
0xcb: {  	vm0 =	vge.s32 v4, v1;
	vm1 =	vlt.s32 v4, v2  }
0xcc: {  	v4 =	vsub.s32 v4, v3;
	vm0 =	vmand vm0, vm1  }
0xcd: {  	v4 =	vnsel vm0, $0xFFFFFFFF, v4  }
0xce: {  	[tilespmem:s11+$0xFFFFFFF0] =	vst v4  }
0xcf: {  	v4 =	vld [tilespmem:s12+$0x0];
	_ =	sdelay $0x4  }
0xd0: {  	vm0 =	vge.s32 v4, v1;
	vm1 =	vlt.s32 v4, v2  }
0xd1: {  	v4 =	vsub.s32 v4, v3;
	vm0 =	vmand vm0, vm1  }
0xd2: {  	v4 =	vnsel vm0, $0xFFFFFFFF, v4  }
0xd3: {  	[tilespmem:s11+$0x0] =	vst v4  }
0xd4: {  	v4 =	vld [tilespmem:s12+$0x10];
	_ =	sdelay $0x4  }
0xd5: {  	vm0 =	vge.s32 v4, v1;
	vm1 =	vlt.s32 v4, v2  }
0xd6: {  	v4 =	vsub.s32 v4, v3;
	vm0 =	vmand vm0, vm1  }
0xd7: {  	v4 =	vnsel vm0, $0xFFFFFFFF, v4  }
0xd8: {  	[tilespmem:s11+$0x10] =	vst v4  }
0xd9: {  	v4 =	vld [tilespmem:s12+$0x20];
	_ =	sdelay $0x4  }
0xda: {  	vm0 =	vge.s32 v4, v1;
	vm1 =	vlt.s32 v4, v2  }
0xdb: {  	v4 =	vsub.s32 v4, v3;
	vm0 =	vmand vm0, vm1  }
0xdc: {  	v4 =	vnsel vm0, $0xFFFFFFFF, v4  }
0xdd: {  	[tilespmem:s11+$0x20] =	vst v4  }
0xde: {  	v4 =	vld [tilespmem:s12+$0x30];
	_ =	sdelay $0x2  }
.Ltmp2:
0xdf: {  	(pc) =	sbr.rel @p0 .LBB2_3-.Ltmp2, $4  }
0xe0: {  	_ = 	snop  }
0xe1: {  	vm0 =	vge.s32 v4, v1;
	vm1 =	vlt.s32 v4, v2  }
0xe2: {  	v4 =	vsub.s32 v4, v3;
	vm0 =	vmand vm0, vm1  }
0xe3: {  	v4 =	vnsel vm0, $0xFFFFFFFF, v4  }
0xe4: {  	s17 =	sand.u32 $0x1, s9  }
0xe5: {  	[tilespmem:s11+$0x30] =	vst v4;
	s11 =	simm.s32 $0xCC000;
	p0 =	seq.s32 s17, $0x1  }
0xe6: {  	s12 =	simm.s32 $0x0;
	s15 =	simm.s32 $0x0;
	s11 =	simm.s32 @!p0 $0x0  }
0xe7: {  	s14 =	simm.s32 $0x0;
	s13 =	simm.s32 $0x1;
	s11 =	sadd.s32 s11, s1  }
.LBB2_5:
0xe8: {  	p0 =	sne.s32 s13, $0x3F;
	s16 =	sshrl.u32 s12, $0x2  }
0xe9: {  	s15 =	smul.u32 $0x66000, s15;
	s14 =	sand.u32 $0x3FFFFC00, s14;
	s16 =	sand.u32 $0x380, s16  }
0xea: {  	(ifvalue) =	ssetifvalue $0xFFFFFFFF;
	s14 =	sor.u32 s16, s14  }
.Ltmp3:
0xeb: {  	s15 =	sshra.s32 s15, $0x2;
	(ifvalue) =	ssetifvalue $0xFFFFFFFF;
	(pc) =	sbr.rel @p0 .LBB2_5-.Ltmp3, $4  }
0xec: {  	s16 =	sor.u32 $0x400, s16;
	s14 =	sadd.s32 $0x800, s14;
	s15 =	sadd.s32 s15, s11  }
0xed: {  	[tilespmem:s14], [sflag:$0x1] =	stream.indirect.gather [spmem:s15], $0x1, s16, s0, $0x40b8;
	[tilespmem:$0x1E800] =	vst v63  }
0xee: {  	s12 =	sadd.s32 $0x200, s12  }
0xef: {  	s15 =	sshrl.u32 s13, $0x3;
	s14 =	sshll.u32 s13, $0x7;
	s13 =	sadd.s32 $0x1, s13  }
0xf0: {  	s12 =	sshrl.u32 s12, $0x2;
	s13 =	smul.u32 $0x66000, s15  }
0xf1: {  	s14 =	sand.u32 $0x3FFFFC00, s14;
	(ifvalue) =	ssetifvalue $0xFFFFFFFF;
	s12 =	sand.u32 $0x380, s12  }
0xf2: {  	(ifvalue) =	ssetifvalue $0xFFFFFFFF;
	s14 =	sor.u32 s12, s14;
	s13 =	sshra.s32 s13, $0x2  }
0xf3: {  	s12 =	sor.u32 $0x400, s12;
	s14 =	sadd.s32 $0x800, s14;
	s11 =	sadd.s32 s13, s11  }
0xf4: {  	[tilespmem:s14], [sflag:$0x1] =	stream.indirect.gather [spmem:s11], $0x1, s12, s0, $0x40b8;
	[tilespmem:$0x1E800] =	vst v63  }
0xf5: {  	_ =	swait.ge [sflag:s30], $0x80  }
0xf6: {  	s11 =	simm.s32 $0x3F;
	[sflag:s30] =	ssyncset.done $0x0  }
.LBB2_7:
0xf7: {  	p0 =	sne.s32 s11, $0x1;
	s11 =	sadd.s32 $0xFFFFFFFF, s11;
	[sflag:s30] =	ssyncadd.s32 $0xFFFFFF80  }
.Ltmp4:
0xf8: {  	(pc) =	sbr.rel @p0 .LBB2_7-.Ltmp4, $3  }
0xf9: {  	_ =	sdelay $0x1  }
0xfa: {  	_ =	swait.ge [sflag:s30], $0x80  }
0xfb: {  	[sflag:s30] =	ssyncset.done $0x0  }
0xfc: {  	p0 =	sne.s32 s9, $0x9  }
.Ltmp5:
0xfd: {  	_ = 	snop;
	(pc) =	sbr.rel @!p0 .LBB2_9-.Ltmp5, $2  }
0xfe: {  	_ =	sdelay $0x2  }
0xff: {  	[sflag:s30] =	ssyncadd.s32 $0xFFFFFF80  }
0x100: {  	p0 =	sne.s32 s10, $0xA  }
.Ltmp6:
0x101: {  	_ =	swait.ge [sflag:s2], $0x1980;
	(pc) =	sbr.rel @p0 .LBB2_2-.Ltmp6, $4  }
.Ltmp7:
0x102: {  	[sflag:s2] =	ssyncset.done $0x0;
	(pc) =	sbr.rel @!p0 .LBB2_11-.Ltmp7, $4  }
0x103: {  	[sflag:s2] =	ssyncadd.s32 $0xFFFFE680  }
0x104: {  	[bflag:$0x0] =	sbarrier.arrive $0xFFFF  }
0x105: {  	s9 =	smov.u32 s10  }
0x106: {  	_ = 	snop  }
.LBB2_9:
0x107: {  	[bflag:$0x0] =	sbarrier.arrive $0xFFFF  }
.LBB2_11:
0x108: {  	v1 =	vld [tilespmem:$0x0]  }
0x109: {  	v2 =	vld [tilespmem:$0x10];
	_ =	sdelay $0x1  }
0x10a: {  	v3 =	vld [tilespmem:$0x20];
	_ =	sdelay $0x1  }
0x10b: {  	v4 =	vld [tilespmem:$0x30]  }
0x10c: {  	vm0 =	vgt.s32 v1, v2  }
0x10d: {  	v1 =	vsel vm0, v1, v2;
	v2 =	vld [tilespmem:$0x40]  }
0x10e: {  	vm0 =	vgt.s32 v1, v3  }
0x10f: {  	v1 =	vsel vm0, v1, v3;
	v3 =	vld [tilespmem:$0x50]  }
0x110: {  	vm0 =	vgt.s32 v1, v4  }
0x111: {  	v44 =	vld [tilespmem:$0x60];
	v1 =	vsel vm0, v1, v4  }
0x112: {  	vm0 =	vgt.s32 v1, v2  }
0x113: {  	v1 =	vsel vm0, v1, v2;
	v2 =	vld [tilespmem:$0x70]  }
0x114: {  	vm0 =	vgt.s32 v1, v3  }
0x115: {  	v1 =	vsel vm0, v1, v3;
	v3 =	vld [tilespmem:$0x80]  }
0x116: {  	vm0 =	vgt.s32 v1, v44  }
0x117: {  	v45 =	vld [tilespmem:$0x90];
	v1 =	vsel vm0, v1, v44  }
0x118: {  	vm0 =	vgt.s32 v1, v2  }
0x119: {  	v1 =	vsel vm0, v1, v2;
	v2 =	vld [tilespmem:$0xA0]  }
0x11a: {  	vm0 =	vgt.s32 v1, v3  }
0x11b: {  	v1 =	vsel vm0, v1, v3;
	v3 =	vld [tilespmem:$0xB0]  }
0x11c: {  	vm0 =	vgt.s32 v1, v45  }
0x11d: {  	v46 =	vld [tilespmem:$0xC0];
	v1 =	vsel vm0, v1, v45  }
0x11e: {  	vm0 =	vgt.s32 v1, v2  }
0x11f: {  	v1 =	vsel vm0, v1, v2;
	v2 =	vld [tilespmem:$0xD0]  }
0x120: {  	vm0 =	vgt.s32 v1, v3  }
0x121: {  	v1 =	vsel vm0, v1, v3;
	v3 =	vld [tilespmem:$0xE0]  }
0x122: {  	vm0 =	vgt.s32 v1, v46  }
0x123: {  	v47 =	vld [tilespmem:$0xF0];
	v1 =	vsel vm0, v1, v46  }
0x124: {  	vm0 =	vgt.s32 v1, v2  }
0x125: {  	v1 =	vsel vm0, v1, v2;
	v2 =	vld [tilespmem:$0x100]  }
0x126: {  	vm0 =	vgt.s32 v1, v3  }
0x127: {  	v1 =	vsel vm0, v1, v3;
	v3 =	vld [tilespmem:$0x110]  }
0x128: {  	vm0 =	vgt.s32 v1, v47  }
0x129: {  	v48 =	vld [tilespmem:$0x120];
	v1 =	vsel vm0, v1, v47  }
0x12a: {  	vm0 =	vgt.s32 v1, v2  }
0x12b: {  	v1 =	vsel vm0, v1, v2;
	v2 =	vld [tilespmem:$0x130]  }
0x12c: {  	vm0 =	vgt.s32 v1, v3  }
0x12d: {  	v1 =	vsel vm0, v1, v3;
	v3 =	vld [tilespmem:$0x140]  }
0x12e: {  	vm0 =	vgt.s32 v1, v48  }
0x12f: {  	v49 =	vld [tilespmem:$0x150];
	v1 =	vsel vm0, v1, v48  }
0x130: {  	vm0 =	vgt.s32 v1, v2  }
0x131: {  	v1 =	vsel vm0, v1, v2;
	v2 =	vld [tilespmem:$0x160]  }
0x132: {  	vm0 =	vgt.s32 v1, v3  }
0x133: {  	v1 =	vsel vm0, v1, v3;
	v3 =	vld [tilespmem:$0x170]  }
0x134: {  	vm0 =	vgt.s32 v1, v49  }
0x135: {  	v50 =	vld [tilespmem:$0x180];
	v1 =	vsel vm0, v1, v49  }
0x136: {  	vm0 =	vgt.s32 v1, v2  }
0x137: {  	v1 =	vsel vm0, v1, v2;
	v2 =	vld [tilespmem:$0x190]  }
0x138: {  	vm0 =	vgt.s32 v1, v3  }
0x139: {  	v1 =	vsel vm0, v1, v3;
	v3 =	vld [tilespmem:$0x1A0]  }
0x13a: {  	vm0 =	vgt.s32 v1, v50  }
0x13b: {  	v51 =	vld [tilespmem:$0x1B0];
	v1 =	vsel vm0, v1, v50  }
0x13c: {  	vm0 =	vgt.s32 v1, v2  }
0x13d: {  	v1 =	vsel vm0, v1, v2;
	v2 =	vld [tilespmem:$0x1C0]  }
0x13e: {  	vm0 =	vgt.s32 v1, v3  }
0x13f: {  	v1 =	vsel vm0, v1, v3;
	v3 =	vld [tilespmem:$0x1D0]  }
0x140: {  	vm0 =	vgt.s32 v1, v51  }
0x141: {  	v52 =	vld [tilespmem:$0x1E0];
	v1 =	vsel vm0, v1, v51  }
0x142: {  	vm0 =	vgt.s32 v1, v2  }
0x143: {  	v1 =	vsel vm0, v1, v2;
	v2 =	vld [tilespmem:$0x1F0]  }
0x144: {  	vm0 =	vgt.s32 v1, v3  }
0x145: {  	v1 =	vsel vm0, v1, v3;
	v3 =	vld [tilespmem:$0x200]  }
0x146: {  	vm0 =	vgt.s32 v1, v52  }
0x147: {  	v53 =	vld [tilespmem:$0x210];
	v1 =	vsel vm0, v1, v52  }
0x148: {  	vm0 =	vgt.s32 v1, v2  }
0x149: {  	v1 =	vsel vm0, v1, v2;
	v2 =	vld [tilespmem:$0x220]  }
0x14a: {  	vm0 =	vgt.s32 v1, v3  }
0x14b: {  	v1 =	vsel vm0, v1, v3;
	v3 =	vld [tilespmem:$0x230]  }
0x14c: {  	vm0 =	vgt.s32 v1, v53  }
0x14d: {  	v54 =	vld [tilespmem:$0x240];
	v1 =	vsel vm0, v1, v53  }
0x14e: {  	vm0 =	vgt.s32 v1, v2  }
0x14f: {  	v1 =	vsel vm0, v1, v2;
	v2 =	vld [tilespmem:$0x250]  }
0x150: {  	vm0 =	vgt.s32 v1, v3  }
0x151: {  	v1 =	vsel vm0, v1, v3;
	v3 =	vld [tilespmem:$0x260]  }
0x152: {  	vm0 =	vgt.s32 v1, v54  }
0x153: {  	v55 =	vld [tilespmem:$0x270];
	v1 =	vsel vm0, v1, v54  }
0x154: {  	vm0 =	vgt.s32 v1, v2  }
0x155: {  	v1 =	vsel vm0, v1, v2;
	v2 =	vld [tilespmem:$0x280]  }
0x156: {  	vm0 =	vgt.s32 v1, v3  }
0x157: {  	v1 =	vsel vm0, v1, v3;
	v3 =	vld [tilespmem:$0x290]  }
0x158: {  	vm0 =	vgt.s32 v1, v55  }
0x159: {  	v56 =	vld [tilespmem:$0x2A0];
	v1 =	vsel vm0, v1, v55  }
0x15a: {  	vm0 =	vgt.s32 v1, v2  }
0x15b: {  	v1 =	vsel vm0, v1, v2;
	v2 =	vld [tilespmem:$0x2B0]  }
0x15c: {  	vm0 =	vgt.s32 v1, v3  }
0x15d: {  	v1 =	vsel vm0, v1, v3;
	v3 =	vld [tilespmem:$0x2C0]  }
0x15e: {  	vm0 =	vgt.s32 v1, v56  }
0x15f: {  	v57 =	vld [tilespmem:$0x2D0];
	v1 =	vsel vm0, v1, v56  }
0x160: {  	vm0 =	vgt.s32 v1, v2  }
0x161: {  	v1 =	vsel vm0, v1, v2;
	v2 =	vld [tilespmem:$0x2E0]  }
0x162: {  	vm0 =	vgt.s32 v1, v3  }
0x163: {  	v1 =	vsel vm0, v1, v3;
	v3 =	vld [tilespmem:$0x2F0]  }
0x164: {  	vm0 =	vgt.s32 v1, v57  }
0x165: {  	v58 =	vld [tilespmem:$0x300];
	v1 =	vsel vm0, v1, v57  }
0x166: {  	vm0 =	vgt.s32 v1, v2  }
0x167: {  	v1 =	vsel vm0, v1, v2;
	v2 =	vld [tilespmem:$0x310]  }
0x168: {  	vm0 =	vgt.s32 v1, v3  }
0x169: {  	v1 =	vsel vm0, v1, v3;
	v3 =	vld [tilespmem:$0x320]  }
0x16a: {  	vm0 =	vgt.s32 v1, v58  }
0x16b: {  	v59 =	vld [tilespmem:$0x330];
	v1 =	vsel vm0, v1, v58  }
0x16c: {  	vm0 =	vgt.s32 v1, v2  }
0x16d: {  	v1 =	vsel vm0, v1, v2;
	v2 =	vld [tilespmem:$0x340]  }
0x16e: {  	vm0 =	vgt.s32 v1, v3  }
0x16f: {  	v1 =	vsel vm0, v1, v3;
	v3 =	vld [tilespmem:$0x350]  }
0x170: {  	vm0 =	vgt.s32 v1, v59  }
0x171: {  	v60 =	vld [tilespmem:$0x360];
	v1 =	vsel vm0, v1, v59  }
0x172: {  	vm0 =	vgt.s32 v1, v2  }
0x173: {  	v1 =	vsel vm0, v1, v2;
	v2 =	vld [tilespmem:$0x370]  }
0x174: {  	vm0 =	vgt.s32 v1, v3  }
0x175: {  	v1 =	vsel vm0, v1, v3;
	v3 =	vld [tilespmem:$0x380]  }
0x176: {  	vm0 =	vgt.s32 v1, v60  }
0x177: {  	v61 =	vld [tilespmem:$0x390];
	v1 =	vsel vm0, v1, v60  }
0x178: {  	vm0 =	vgt.s32 v1, v2  }
0x179: {  	v1 =	vsel vm0, v1, v2;
	v2 =	vld [tilespmem:$0x3A0]  }
0x17a: {  	vm0 =	vgt.s32 v1, v3  }
0x17b: {  	v1 =	vsel vm0, v1, v3;
	v3 =	vld [tilespmem:$0x3B0]  }
0x17c: {  	vm0 =	vgt.s32 v1, v61  }
0x17d: {  	v62 =	vld [tilespmem:$0x3C0];
	v1 =	vsel vm0, v1, v61  }
0x17e: {  	vm0 =	vgt.s32 v1, v2  }
0x17f: {  	v1 =	vsel vm0, v1, v2;
	v2 =	vld [tilespmem:$0x3D0]  }
0x180: {  	vm0 =	vgt.s32 v1, v3  }
0x181: {  	v1 =	vsel vm0, v1, v3;
	v3 =	vld [tilespmem:$0x3E0]  }
0x182: {  	vm0 =	vgt.s32 v1, v62  }
0x183: {  	v63 =	vld [tilespmem:$0x3F0];
	v1 =	vsel vm0, v1, v62  }
0x184: {  	vm0 =	vgt.s32 v1, v2  }
0x185: {  	v1 =	vsel vm0, v1, v2  }
0x186: {  	vm0 =	vgt.s32 v1, v3  }
0x187: {  	v1 =	vsel vm0, v1, v3  }
0x188: {  	vm0 =	vgt.s32 v1, v63  }
0x189: {  	v1 =	vsel vm0, v1, v63  }
0x18a: {  	v1 =	vxor.u32 $0x80000000, v1  }
0x18b: {  	(xrf0) =	vmax.scan.msk.u32 $0xffff, v1;
	_ =	sdelay $0x5  }
0x18c: {  	v1, _, _ =	vpop (xrf0)  }
0x18d: {  	(v2sf) =	vpush v1, $0xF;
	_ =	sdelay $0xe  }
0x18e: {  	s9 =	spop (v2sf)  }
0x18f: {  	p0 =	slt.u32 s9, $0x800F4000  }
.Ltmp8:
0x190: {  	_ = 	snop;
	(pc) =	sbr.rel @p0 .LBB2_15-.Ltmp8, $1  }
0x191: {  	_ =	sdelay $0x3  }
0x192: {  	s9 =	simm.s32 $0x0  }
0x193: {  	v1 =	vld [tilespmem:s9+$0x0];
	_ =	sdelay $0x4  }
0x194: {  	vm0 =	vgt.s32 v1, $0xF4000  }
0x195: {  	v2 =	vnsel vm0, $0xF4000, v1  }
0x196: {  	v3 =	vshrl.u32 v2, $0x7  }
0x197: {  	v3 =	vadd.s32 $0x3FE180, v3  }
0x198: {  	v3 =	vadd.s32 v0, v3  }
0x199: {  	v2 =	vand.u32 $0x7F, v2;
	v3 =	vshll.u32 v3, $0xA  }
0x19a: {  	v2 =	vor.u32 v2, v3;
	_ =	sdelay $0x2  }
0x19b: {  	s10 =	simm.s32 $0x800  }
0x19c: {  	v4 =	vld [tilespmem:s10+$0x0]  }
0x19d: {  	v3 =	vld.idx.msk [tilespmem:v2+s31+$0x0], $0xffff;
	_ =	sdelay $0x1  }
0x19e: {  	v5 =	vor.u32 $0x80, v2;
	_ =	sdelay $0x1  }
0x19f: {  	vm15 =	vgt.s32 v1, $0xF3FFF  }
0x1a0: {  	v1 =	vsel vm15, v3, v4  }
0x1a1: {  	[tilespmem:s10+$0x0] =	vst v1  }
0x1a2: {  	s12 =	sand.u32 $0x3F0, s9;
	v1 =	vld.idx.msk [tilespmem:v5+s31+$0x0], $0xffff  }
0x1a3: {  	v3 =	vld [tilespmem:s12+$0xC00];
	_ =	sdelay $0x1  }
0x1a4: {  	v59 =	vor.u32 $0x100, v2;
	_ =	sdelay $0x2  }
0x1a5: {  	v1 =	vsel vm15, v1, v3  }
0x1a6: {  	v3 =	vld [tilespmem:s12+$0x1000];
	[tilespmem:s12+$0xC00] =	vst v1  }
0x1a7: {  	v1 =	vld.idx.msk [tilespmem:v59+s31+$0x0], $0xffff;
	_ =	sdelay $0x1  }
0x1a8: {  	v60 =	vor.u32 $0x180, v2;
	_ =	sdelay $0x2  }
0x1a9: {  	v1 =	vsel vm15, v1, v3  }
0x1aa: {  	v3 =	vld [tilespmem:s12+$0x1400];
	[tilespmem:s12+$0x1000] =	vst v1  }
0x1ab: {  	v1 =	vld.idx.msk [tilespmem:v60+s31+$0x0], $0xffff;
	_ =	sdelay $0x1  }
0x1ac: {  	v61 =	vor.u32 $0x200, v2;
	_ =	sdelay $0x2  }
0x1ad: {  	v1 =	vsel vm15, v1, v3  }
0x1ae: {  	v3 =	vld [tilespmem:s12+$0x1800];
	[tilespmem:s12+$0x1400] =	vst v1  }
0x1af: {  	v1 =	vld.idx.msk [tilespmem:v61+s31+$0x0], $0xffff;
	_ =	sdelay $0x1  }
0x1b0: {  	v62 =	vor.u32 $0x280, v2;
	_ =	sdelay $0x2  }
0x1b1: {  	v1 =	vsel vm15, v1, v3  }
0x1b2: {  	v3 =	vld [tilespmem:s12+$0x1C00];
	[tilespmem:s12+$0x1800] =	vst v1  }
0x1b3: {  	v1 =	vld.idx.msk [tilespmem:v62+s31+$0x0], $0xffff;
	_ =	sdelay $0x1  }
0x1b4: {  	v63 =	vor.u32 $0x300, v2;
	_ =	sdelay $0x2  }
0x1b5: {  	v1 =	vsel vm15, v1, v3  }
0x1b6: {  	v3 =	vld [tilespmem:s12+$0x2000];
	[tilespmem:s12+$0x1C00] =	vst v1  }
0x1b7: {  	v1 =	vld.idx.msk [tilespmem:v63+s31+$0x0], $0xffff;
	_ =	sdelay $0x1  }
0x1b8: {  	v2 =	vor.u32 $0x380, v2;
	_ =	sdelay $0x2  }
0x1b9: {  	v1 =	vsel vm15, v1, v3  }
0x1ba: {  	[tilespmem:s12+$0x2000] =	vst v1  }
0x1bb: {  	v1 =	vld.idx.msk [tilespmem:v2+s31+$0x0], $0xffff  }
0x1bc: {  	v2 =	vld [tilespmem:s12+$0x2400];
	_ =	sdelay $0x4  }
0x1bd: {  	s11 =	simm.s32 $0x10;
	v1 =	vsel vm15, v1, v2  }
.LBB2_13:
0x1be: {  	p0 =	sne.s32 s11, $0x3F0;
	[tilespmem:s12+$0x2400] =	vst v1;
	s9 =	sadd.s32 $0x10, s9;
	s10 =	sadd.s32 $0x10, s10  }
0x1bf: {  	s12 =	smov.u32 s11;
	s11 =	sadd.s32 $0x10, s11;
	v1 =	vld [tilespmem:s9+$0x0];
	_ =	sdelay $0x4  }
0x1c0: {  	vm0 =	vgt.s32 v1, $0xF4000  }
0x1c1: {  	v2 =	vnsel vm0, $0xF4000, v1  }
0x1c2: {  	v3 =	vshrl.u32 v2, $0x7  }
0x1c3: {  	v3 =	vadd.s32 $0x3FE180, v3  }
0x1c4: {  	v3 =	vadd.s32 v0, v3  }
0x1c5: {  	v2 =	vand.u32 $0x7F, v2;
	v3 =	vshll.u32 v3, $0xA  }
0x1c6: {  	v2 =	vor.u32 v2, v3;
	_ =	sdelay $0x4  }
0x1c7: {  	v3 =	vld.idx.msk [tilespmem:v2+s31+$0x0], $0xffff  }
0x1c8: {  	v4 =	vld [tilespmem:s10+$0x0];
	_ =	sdelay $0x1  }
0x1c9: {  	v5 =	vor.u32 $0x80, v2;
	_ =	sdelay $0x1  }
0x1ca: {  	vm0 =	vgt.s32 v1, $0xF3FFF  }
0x1cb: {  	v1 =	vsel vm0, v3, v4  }
0x1cc: {  	[tilespmem:s10+$0x0] =	vst v1  }
0x1cd: {  	s12 =	sand.u32 $0x3F0, s12;
	v1 =	vld.idx.msk [tilespmem:v5+s31+$0x0], $0xffff  }
0x1ce: {  	v3 =	vld [tilespmem:s12+$0xC00];
	_ =	sdelay $0x1  }
0x1cf: {  	v4 =	vor.u32 $0x100, v2;
	_ =	sdelay $0x2  }
0x1d0: {  	v1 =	vsel vm0, v1, v3  }
0x1d1: {  	[tilespmem:s12+$0xC00] =	vst v1  }
0x1d2: {  	v1 =	vld.idx.msk [tilespmem:v4+s31+$0x0], $0xffff  }
0x1d3: {  	v3 =	vld [tilespmem:s12+$0x1000];
	_ =	sdelay $0x1  }
0x1d4: {  	v4 =	vor.u32 $0x180, v2;
	_ =	sdelay $0x2  }
0x1d5: {  	v1 =	vsel vm0, v1, v3  }
0x1d6: {  	[tilespmem:s12+$0x1000] =	vst v1  }
0x1d7: {  	v1 =	vld.idx.msk [tilespmem:v4+s31+$0x0], $0xffff  }
0x1d8: {  	v3 =	vld [tilespmem:s12+$0x1400];
	_ =	sdelay $0x1  }
0x1d9: {  	v4 =	vor.u32 $0x200, v2;
	_ =	sdelay $0x2  }
0x1da: {  	v1 =	vsel vm0, v1, v3  }
0x1db: {  	[tilespmem:s12+$0x1400] =	vst v1  }
0x1dc: {  	v1 =	vld.idx.msk [tilespmem:v4+s31+$0x0], $0xffff  }
0x1dd: {  	v3 =	vld [tilespmem:s12+$0x1800];
	_ =	sdelay $0x1  }
0x1de: {  	v4 =	vor.u32 $0x280, v2;
	_ =	sdelay $0x2  }
0x1df: {  	v1 =	vsel vm0, v1, v3  }
0x1e0: {  	[tilespmem:s12+$0x1800] =	vst v1  }
0x1e1: {  	v1 =	vld.idx.msk [tilespmem:v4+s31+$0x0], $0xffff  }
0x1e2: {  	v3 =	vld [tilespmem:s12+$0x1C00];
	_ =	sdelay $0x1  }
0x1e3: {  	v4 =	vor.u32 $0x300, v2;
	_ =	sdelay $0x2  }
0x1e4: {  	v1 =	vsel vm0, v1, v3  }
0x1e5: {  	[tilespmem:s12+$0x1C00] =	vst v1  }
0x1e6: {  	v1 =	vld.idx.msk [tilespmem:v4+s31+$0x0], $0xffff  }
0x1e7: {  	v3 =	vld [tilespmem:s12+$0x2000];
	_ =	sdelay $0x1  }
0x1e8: {  	v2 =	vor.u32 $0x380, v2;
	_ =	sdelay $0x2  }
0x1e9: {  	v1 =	vsel vm0, v1, v3  }
0x1ea: {  	[tilespmem:s12+$0x2000] =	vst v1  }
0x1eb: {  	v1 =	vld.idx.msk [tilespmem:v2+s31+$0x0], $0xffff  }
0x1ec: {  	v2 =	vld [tilespmem:s12+$0x2400]  }
.Ltmp9:
0x1ed: {  	(pc) =	sbr.rel @p0 .LBB2_13-.Ltmp9, $2  }
0x1ee: {  	_ =	sdelay $0x2  }
0x1ef: {  	v1 =	vsel vm0, v1, v2  }
.Ltmp10:
0x1f0: {  	(pc) =	sbr.rel .LBB2_15-.Ltmp10, $2  }
0x1f1: {  	_ =	sdelay $0x2  }
0x1f2: {  	[tilespmem:s12+$0x2400] =	vst v1  }
.LBB2_16:
0x1f3: {  	_ =	sfence.sel $0x180000  }
0x1f4: {  	[bflag:$0x0] =	sbarrier.arrive $0xFFFF  }
0x1f5: {  	_ =	strace $0x90000047  }
0x1f6: {  	s0 =	stileid.u32;
	[bflag:$0x2] =	sbarrier.arrive $0xFFFF  }
0x1f7: {  	p0 =	sne.s32 s0, $0x0;
	s0 =	rddreg [dreg:$0x5]  }
0x1f8: {  	s0 =	sadd.s32 @!p0 $0x100000, s0  }
0x1f9: {  	[sflag:s0] =	ssyncadd.tile.s32 @!p0 $0x1;
	_ =	shalt  }
.Lfunc_end2:
_tile_overlayer_lowered:
.L_overlay_start_2:
0x1fa: {  	(tag) =	ssettag $0x2  }
0x1fb: {  	s0 =	rddreg [dreg:$0x0];
	s2 =	stileid.u32  }
0x1fc: {  	s1 =	rddreg [dreg:$0x1];
	p0 =	sne.s32 s2, $0x0  }
0x1fd: {  	s3 =	rddreg [dreg:$0x2];
	[bflag:$0x3] =	sbarrier.arrive $0xFFFF;
	s2 =	simm.s32 @!p0 $0x1C03  }
0x1fe: {  	[timem:s3], [sflag:s2] =	dma.local @!p0 [hbm:s0], s1  }
0x1ff: {  	s0 =	simm.s32 @!p0 $0x3  }
0x200: {  	_ =	swait.ge @!p0 [sflag:s0], s1  }
0x201: {  	s1 =	ssub.s32 @!p0 $0x0, s1;
	[sflag:s0] =	ssyncset.done @!p0 $0x0  }
0x202: {  	[sflag:s0] =	ssyncadd.s32 @!p0 s1  }
0x203: {  	[bflag:$0x3] =	sbarrier.arrive $0xFFFF  }
0x204: {  	_ =	shalt  }

</sc_bundles>
